<compile_context>
chip_gen: v7x
topology: tpu7x:2x2x1
jax: 0.10.2.dev20260603
libtpu: 0.0.44.dev20260713+nightly
codegen_flags: <defaults>
</compile_context>

<pallas_src>
import jax
import jax.numpy as jnp
from jax import lax
from jax.experimental import pallas as pl
from jax.experimental.pallas import tpu as pltpu
from jax.experimental.pallas import tpu_sc as plsc

_VOC = 1000000
_E = 64
_H = 128
_LN = 256
_NC = 10
_B = 4096
_S = 50

_NCORES = 2
_NSUB = 16
_NW = _NCORES * _NSUB
_NIDX = _B * _S
_BPW = _NIDX // _NW
_CH = 400
_NCH = _BPW // _CH


def _gather_body(table_hbm, idx_hbm, out_hbm, idx_v, rows_a, rows_b,
                 gsem, wsem):
    wid = lax.axis_index("s") * _NCORES + lax.axis_index("c")
    base = wid * _BPW
    pltpu.sync_copy(idx_hbm.at[pl.ds(base, _BPW)], idx_v)
    bufs = (rows_a, rows_b)
    g = pltpu.async_copy(
        table_hbm.at[idx_v.at[pl.ds(0, _CH)]], bufs[0], gsem)
    w_prev = None
    w_last = None
    for j in range(_NCH):
        g.wait()
        if j + 1 < _NCH:
            if w_prev is not None:
                w_prev.wait()
            g = pltpu.async_copy(
                table_hbm.at[idx_v.at[pl.ds((j + 1) * _CH, _CH)]],
                bufs[(j + 1) % 2], gsem)
            w_prev = pltpu.async_copy(
                bufs[j % 2], out_hbm.at[pl.ds(base + j * _CH, _CH)],
                wsem)
        else:
            w_last = pltpu.async_copy(
                bufs[j % 2], out_hbm.at[pl.ds(base + j * _CH, _CH)],
                wsem)
    if w_prev is not None:
        w_prev.wait()
    w_last.wait()


def _sc_gather(table_packed, pair_idx):
    mesh = plsc.VectorSubcoreMesh(core_axis_name="c", subcore_axis_name="s")
    f = pl.kernel(
        _gather_body,
        mesh=mesh,
        out_type=jax.ShapeDtypeStruct((_NIDX, 2 * _E), jnp.float32),
        scratch_types=[
            pltpu.VMEM((_BPW,), jnp.int32),
            pltpu.VMEM((_CH, 2 * _E), jnp.float32),
            pltpu.VMEM((_CH, 2 * _E), jnp.float32),
            pltpu.SemaphoreType.DMA,
            pltpu.SemaphoreType.DMA,
        ],
    )
    return f(table_packed, pair_idx)


_BB = 4096
_NB = _B // _BB


def _lstm_body(ef_ref, eb_ref, pf_ref, pb_ref, idx_ref,
               wxf_ref, wxb_ref,
               bf_ref, bb_ref, w1_ref, b1_ref, w2_ref, b2_ref,
               out_ref, h_f, c_f, h_b, c_b, lf, lb):
    s = pl.program_id(1)

    @pl.when(s == 0)
    def _init():
        z0 = jnp.zeros((_BB, _H), jnp.float32)
        h_f[...] = z0
        c_f[...] = z0
        h_b[...] = z0
        c_b[...] = z0
        lf[...] = z0
        lb[...] = z0

    lane = lax.broadcasted_iota(jnp.int32, (_BB, 2 * _E), 1)
    hi_half = lane >= _E

    def _step(e_ref, p_ref, w_ref, b_ref, h, c):
        masked = jnp.where((p_ref[0] != 0) == hi_half, e_ref[0], 0.0)
        a = jnp.concatenate([masked, h[...]], axis=1)
        z = (jnp.dot(a, w_ref[...], preferred_element_type=jnp.float32)
             + b_ref[0:1, :])
        gi = jax.nn.sigmoid(z[:, 0 * _H:1 * _H])
        gf = jax.nn.sigmoid(z[:, 1 * _H:2 * _H])
        gg = jnp.tanh(z[:, 2 * _H:3 * _H])
        go = jax.nn.sigmoid(z[:, 3 * _H:4 * _H])
        cn = gf * c[...] + gi * gg
        hn = go * jnp.tanh(cn)
        h[...] = hn
        c[...] = cn
        return hn

    hf = _step(ef_ref, pf_ref, wxf_ref, bf_ref, h_f, c_f)
    hb = _step(eb_ref, pb_ref, wxb_ref, bb_ref, h_b, c_b)

    idxv = idx_ref[...]
    lf[...] = jnp.where(idxv == s, hf, lf[...])
    lb[...] = jnp.where(idxv == (_S - 1 - s), hb, lb[...])

    @pl.when(s == _S - 1)
    def _final():
        last = jnp.concatenate([lf[...], lb[...]], axis=1)
        x1 = (jnp.dot(last, w1_ref[...], preferred_element_type=jnp.float32)
              + b1_ref[0:1, :])
        out_ref[...] = (jnp.dot(x1, w2_ref[...], preferred_element_type=jnp.float32)
                        + b2_ref[0:1, :])


def _full(shape):
    return pl.BlockSpec(shape, lambda nb, s: tuple(0 for _ in shape))


def _lstm_call_kwargs():
    return dict(
        grid=(_NB, _S),
        in_specs=[
            pl.BlockSpec((1, _BB, 2 * _E), lambda nb, s: (s, nb, 0)),
            pl.BlockSpec((1, _BB, 2 * _E), lambda nb, s: (_S - 1 - s, nb, 0)),
            pl.BlockSpec((1, _BB, 1), lambda nb, s: (s, nb, 0)),
            pl.BlockSpec((1, _BB, 1), lambda nb, s: (_S - 1 - s, nb, 0)),
            pl.BlockSpec((_BB, _H), lambda nb, s: (nb, 0)),
            _full((2 * _H, 4 * _H)), _full((2 * _H, 4 * _H)),
            _full((8, 4 * _H)), _full((8, 4 * _H)),
            _full((2 * _H, _LN)), _full((8, _LN)),
            _full((_LN, _H)), _full((8, _H)),
        ],
        out_specs=pl.BlockSpec((_BB, _H), lambda nb, s: (nb, 0)),
        out_shape=jax.ShapeDtypeStruct((_B, _H), jnp.float32),
        scratch_shapes=[pltpu.VMEM((_BB, _H), jnp.float32)] * 6,
        compiler_params=pltpu.CompilerParams(
            dimension_semantics=("arbitrary", "arbitrary")),
    )


def _bilstm_head(emb, par, idxb, wf, wb, bf2, bb2, w1t, b1t, w2tp, b2p):
    return pl.pallas_call(_lstm_body, **_lstm_call_kwargs())(
        emb, emb, par, par, idxb, wf, wb, bf2, bb2, w1t, b1t, w2tp, b2p)


def kernel(x_inputs, len_sequences, embed_w, Wih_f, Whh_f, bih_f, bhh_f,
           Wih_b, Whh_b, bih_b, bhh_b, W1, b1, W2, b2):
    flat_idx = jnp.transpose(x_inputs).reshape(_NIDX)
    table_packed = embed_w.reshape(_VOC // 2, 2 * _E)
    emb = _sc_gather(table_packed, flat_idx >> 1).reshape(_S, _B, 2 * _E)
    par = (flat_idx & 1).astype(jnp.int8).reshape(_S, _B, 1)

    idx = (jnp.clip(len_sequences, 1, _S) - 1).astype(jnp.int32)
    idxb = jnp.broadcast_to(idx[:, None], (_B, _H))

    wf = jnp.concatenate([Wih_f.T, Wih_f.T, Whh_f.T], axis=0)
    wb = jnp.concatenate([Wih_b.T, Wih_b.T, Whh_b.T], axis=0)
    bf2 = jnp.broadcast_to((bih_f + bhh_f)[None, :], (8, 4 * _H))
    bb2 = jnp.broadcast_to((bih_b + bhh_b)[None, :], (8, 4 * _H))
    w1t = W1.T
    b1t = jnp.broadcast_to(b1[None, :], (8, _LN))
    w2tp = jnp.zeros((_LN, _H), jnp.float32).at[:, :_NC].set(W2.T)
    b2p = jnp.broadcast_to(
        jnp.zeros((_H,), jnp.float32).at[:_NC].set(b2)[None, :], (8, _H))

    out_pad = _bilstm_head(emb, par, idxb, wf, wb,
                           bf2, bb2, w1t, b1t, w2tp, b2p)
    return out_pad[:, :_NC]

# --- scband reference (transcript-rebuilt; emitter-appended) ---
"""Pipeline reference for scband-model1-6451040878781 (READ-ONLY COPY).

The authoritative reference and input builder live on the scoring server;
editing this copy changes nothing except your own understanding.
"""

import jax, jax.numpy as jnp
import numpy as np

VOC = 1000000
E = 64
H = 128
LN = 256
NC = 10
B = 4096
S = 50


def _uniform(k, shape, bound):
    return jax.random.uniform(k, shape, minval=-bound, maxval=bound, dtype=jnp.float32)


def setup_inputs(seed: int = 0) -> dict:
    key = jax.random.key(seed)
    ks = jax.random.split(key, 16)
    bound = 1.0 / np.sqrt(H)
    inp = {}
    inp['x_inputs'] = jax.random.randint(ks[0], (B, S), 0, VOC, dtype=jnp.int32)
    inp['len_sequences'] = jax.random.randint(ks[1], (B,), 0, S, dtype=jnp.int32)
    inp['embed_w'] = jax.random.normal(ks[2], (VOC, E), dtype=jnp.float32)
    inp['Wih_f'] = _uniform(ks[3], (4 * H, E), bound)
    inp['Whh_f'] = _uniform(ks[4], (4 * H, H), bound)
    inp['bih_f'] = _uniform(ks[5], (4 * H,), bound)
    inp['bhh_f'] = _uniform(ks[6], (4 * H,), bound)
    inp['Wih_b'] = _uniform(ks[7], (4 * H, E), bound)
    inp['Whh_b'] = _uniform(ks[8], (4 * H, H), bound)
    inp['bih_b'] = _uniform(ks[9], (4 * H,), bound)
    inp['bhh_b'] = _uniform(ks[10], (4 * H,), bound)
    inp['W1'] = _uniform(ks[11], (LN, 2 * H), 1.0 / np.sqrt(2 * H))
    inp['b1'] = _uniform(ks[12], (LN,), 1.0 / np.sqrt(2 * H))
    inp['W2'] = _uniform(ks[13], (NC, LN), 1.0 / np.sqrt(LN))
    inp['b2'] = _uniform(ks[14], (NC,), 1.0 / np.sqrt(LN))
    return inp


def _lstm_dir(xs, Wih, Whh, bih, bhh):
    # xs: [S, B, E]; PyTorch gate order i, f, g, o
    h0 = jnp.zeros((xs.shape[1], H), dtype=xs.dtype)
    c0 = jnp.zeros((xs.shape[1], H), dtype=xs.dtype)

    def step(carry, xt):
        h, c = carry
        z = xt @ Wih.T + h @ Whh.T + bih + bhh
        i, f, g, o = jnp.split(z, 4, axis=-1)
        i = jax.nn.sigmoid(i)
        f = jax.nn.sigmoid(f)
        g = jnp.tanh(g)
        o = jax.nn.sigmoid(o)
        c = f * c + i * g
        h = o * jnp.tanh(c)
        return (h, c), h

    _, hs = jax.lax.scan(step, (h0, c0), xs)
    return hs  # [S, B, H]


def reference(x_inputs, len_sequences, embed_w, Wih_f, Whh_f, bih_f, bhh_f,
              Wih_b, Whh_b, bih_b, bhh_b, W1, b1, W2, b2):
    # Embedding lookup (memory-bound gather over 1M-row table)
    emb = jnp.take(embed_w, x_inputs, axis=0)  # [B, S, E]
    xs = jnp.transpose(emb, (1, 0, 2))  # [S, B, E]
    hf = _lstm_dir(xs, Wih_f, Whh_f, bih_f, bhh_f)  # [S, B, H]
    hb = _lstm_dir(xs[::-1], Wih_b, Whh_b, bih_b, bhh_b)[::-1]  # [S, B, H]
    res = jnp.transpose(jnp.concatenate([hf, hb], axis=-1), (1, 0, 2))  # [B, S, 2H]
    # last relevant timestep per sequence
    lens = jnp.clip(len_sequences, 1, S)
    idx = (lens - 1)[:, None, None]
    last = jnp.take_along_axis(res, jnp.broadcast_to(idx, (res.shape[0], 1, 2 * H)), axis=1)[:, 0, :]
    X = last @ W1.T + b1
    # dropout is identity in eval mode
    X = X @ W2.T + b2
    return X

if __name__ == "__main__":
    import jax
    _d = setup_inputs()
    print(jax.jit(kernel)(*tuple(_d.values())))

</pallas_src>

<mosaic_0001>
#map = affine_map<(d0, d1) -> (0, 0)>
#map1 = affine_map<(d0, d1) -> (0)>
module attributes {stable_mosaic.version = 14 : i64} {
  func.func @_gather_body(%arg0: i32, %arg1: i32, %arg2: memref<500000x128xf32, #tpu.memory_space<hbm>>, %arg3: memref<204800xi32, #tpu.memory_space<hbm>>, %arg4: memref<204800x128xf32, #tpu.memory_space<hbm>>, %arg5: memref<6400xi32, #tpu.memory_space<vmem>>, %arg6: memref<400x128xf32, #tpu.memory_space<vmem>>, %arg7: memref<400x128xf32, #tpu.memory_space<vmem>>, %arg8: memref<!tpu.dma_semaphore, #tpu.memory_space<semaphore_mem>>, %arg9: memref<!tpu.dma_semaphore, #tpu.memory_space<semaphore_mem>>) attributes {dimension_semantics = [#tpu.dimension_semantics<core_parallel>, #tpu.dimension_semantics<subcore_parallel>], iteration_bounds = array<i64: 2, 16>, scalar_prefetch = 0 : i64, scratch_operands = 5 : i64, tpu.core_type = #tpu.core_type<sc_vector_subcore>, window_params = [{transform_indices = #map}, {transform_indices = #map1}, {transform_indices = #map}]} {
    %mul3A = arith.constant 2 : i32
    %mul3A_0 = arith.muli %arg1, %mul3A : i32
    %add3A = arith.addi %mul3A_0, %arg0 : i32
    %mul3A_1 = arith.constant 6400 : i32
    %mul3A_2 = arith.muli %add3A, %mul3A_1 : i32
    "tpu.region"() ({
      %run_scoped3A = tpu.sem_alloc : memref<!tpu.dma_semaphore, #tpu.memory_space<semaphore_mem>>
      %dma_start3A_321 = tpu.memref_slice %arg3[%mul3A_2] : memref<204800xi32, #tpu.memory_space<hbm>> -> memref<6400xi32, #tpu.memory_space<hbm>>
      %dma_start3A_322 = tpu.memref_slice %arg3[%mul3A_2] : memref<204800xi32, #tpu.memory_space<hbm>> -> memref<6400xi32, #tpu.memory_space<hbm>>
      tpu.enqueue_dma source(%dma_start3A_322 : memref<6400xi32, #tpu.memory_space<hbm>>) target(%arg5 : memref<6400xi32, #tpu.memory_space<vmem>>) target_semaphore(%run_scoped3A : memref<!tpu.dma_semaphore, #tpu.memory_space<semaphore_mem>>)
      %dma_wait3A_323 = tpu.memref_slice %arg3[%mul3A_2] : memref<204800xi32, #tpu.memory_space<hbm>> -> memref<6400xi32, #tpu.memory_space<hbm>>
      %dma_wait3A_324 = tpu.memref_slice %arg3[%mul3A_2] : memref<204800xi32, #tpu.memory_space<hbm>> -> memref<6400xi32, #tpu.memory_space<hbm>>
      tpu.wait_dma2 semaphore(%run_scoped3A : memref<!tpu.dma_semaphore, #tpu.memory_space<semaphore_mem>>) src(%dma_wait3A_324 : memref<6400xi32, #tpu.memory_space<hbm>>) dst(%arg5 : memref<6400xi32, #tpu.memory_space<vmem>>)
      tpu.yield
    }) : () -> ()
    %dma_start3A = arith.constant 0 : i32
    %dma_start3A_3 = tpu.memref_slice %arg5[%dma_start3A] : memref<6400xi32, #tpu.memory_space<vmem>> -> memref<400xi32, #tpu.memory_space<vmem>>
    %dma_start3A_4 = arith.constant 0 : i32
    %dma_start3A_5 = arith.constant 0 : i32
    %dma_start3A_6 = tpu.memref_slice %arg2[%dma_start3A_4, %dma_start3A_5] : memref<500000x128xf32, #tpu.memory_space<hbm>> -> memref<500000x128xf32, #tpu.memory_space<hbm>>
    tpu.enqueue_indirect_dma source(%dma_start3A_6 : memref<500000x128xf32, #tpu.memory_space<hbm>>) target(%arg6 : memref<400x128xf32, #tpu.memory_space<vmem>>) offsets(%dma_start3A_3 : memref<400xi32, #tpu.memory_space<vmem>>) semaphore(%arg8 : memref<!tpu.dma_semaphore, #tpu.memory_space<semaphore_mem>>)
    %dma_wait3A = arith.constant 0 : i32
    %dma_wait3A_7 = tpu.memref_slice %arg5[%dma_wait3A] : memref<6400xi32, #tpu.memory_space<vmem>> -> memref<400xi32, #tpu.memory_space<vmem>>
    %dma_wait3A_8 = arith.constant 0 : i32
    %dma_wait3A_9 = arith.constant 0 : i32
    %dma_wait3A_10 = tpu.memref_slice %arg2[%dma_wait3A_8, %dma_wait3A_9] : memref<500000x128xf32, #tpu.memory_space<hbm>> -> memref<500000x128xf32, #tpu.memory_space<hbm>>
    tpu.wait_indirect_dma semaphore(%arg8 : memref<!tpu.dma_semaphore, #tpu.memory_space<semaphore_mem>>) src(%dma_wait3A_10 : memref<500000x128xf32, #tpu.memory_space<hbm>>) dst(%arg6 : memref<400x128xf32, #tpu.memory_space<vmem>>)
    %dma_start3A_11 = arith.constant 400 : i32
    %dma_start3A_12 = tpu.memref_slice %arg5[%dma_start3A_11] : memref<6400xi32, #tpu.memory_space<vmem>> -> memref<400xi32, #tpu.memory_space<vmem>>
    %dma_start3A_13 = arith.constant 0 : i32
    %dma_start3A_14 = arith.constant 0 : i32
    %dma_start3A_15 = tpu.memref_slice %arg2[%dma_start3A_13, %dma_start3A_14] : memref<500000x128xf32, #tpu.memory_space<hbm>> -> memref<500000x128xf32, #tpu.memory_space<hbm>>
    tpu.enqueue_indirect_dma source(%dma_start3A_15 : memref<500000x128xf32, #tpu.memory_space<hbm>>) target(%arg7 : memref<400x128xf32, #tpu.memory_space<vmem>>) offsets(%dma_start3A_12 : memref<400xi32, #tpu.memory_space<vmem>>) semaphore(%arg8 : memref<!tpu.dma_semaphore, #tpu.memory_space<semaphore_mem>>)
    %add3A_16 = arith.constant 0 : i32
    %add3A_17 = arith.addi %mul3A_2, %add3A_16 : i32
    %dma_start3A_18 = arith.constant 0 : i32
    %dma_start3A_19 = tpu.memref_slice %arg4[%add3A_17, %dma_start3A_18] : memref<204800x128xf32, #tpu.memory_space<hbm>> -> memref<400x128xf32, #tpu.memory_space<hbm>>
    %dma_start3A_20 = arith.constant 0 : i32
    %dma_start3A_21 = tpu.memref_slice %arg4[%add3A_17, %dma_start3A_20] : memref<204800x128xf32, #tpu.memory_space<hbm>> -> memref<400x128xf32, #tpu.memory_space<hbm>>
    tpu.enqueue_dma source(%arg6 : memref<400x128xf32, #tpu.memory_space<vmem>>) target(%dma_start3A_21 : memref<400x128xf32, #tpu.memory_space<hbm>>) target_semaphore(%arg9 : memref<!tpu.dma_semaphore, #tpu.memory_space<semaphore_mem>>)
    %dma_wait3A_22 = arith.constant 400 : i32
    %dma_wait3A_23 = tpu.memref_slice %arg5[%dma_wait3A_22] : memref<6400xi32, #tpu.memory_space<vmem>> -> memref<400xi32, #tpu.memory_space<vmem>>
    %dma_wait3A_24 = arith.constant 0 : i32
    %dma_wait3A_25 = arith.constant 0 : i32
    %dma_wait3A_26 = tpu.memref_slice %arg2[%dma_wait3A_24, %dma_wait3A_25] : memref<500000x128xf32, #tpu.memory_space<hbm>> -> memref<500000x128xf32, #tpu.memory_space<hbm>>
    tpu.wait_indirect_dma semaphore(%arg8 : memref<!tpu.dma_semaphore, #tpu.memory_space<semaphore_mem>>) src(%dma_wait3A_26 : memref<500000x128xf32, #tpu.memory_space<hbm>>) dst(%arg7 : memref<400x128xf32, #tpu.memory_space<vmem>>)
    %dma_wait3A_27 = arith.constant 0 : i32
    %dma_wait3A_28 = tpu.memref_slice %arg4[%add3A_17, %dma_wait3A_27] : memref<204800x128xf32, #tpu.memory_space<hbm>> -> memref<400x128xf32, #tpu.memory_space<hbm>>
    %dma_wait3A_29 = arith.constant 0 : i32
    %dma_wait3A_30 = tpu.memref_slice %arg4[%add3A_17, %dma_wait3A_29] : memref<204800x128xf32, #tpu.memory_space<hbm>> -> memref<400x128xf32, #tpu.memory_space<hbm>>
    tpu.wait_dma2 semaphore(%arg9 : memref<!tpu.dma_semaphore, #tpu.memory_space<semaphore_mem>>) src(%arg6 : memref<400x128xf32, #tpu.memory_space<vmem>>) dst(%dma_wait3A_30 : memref<400x128xf32, #tpu.memory_space<hbm>>)
    %dma_start3A_31 = arith.constant 800 : i32
    %dma_start3A_32 = tpu.memref_slice %arg5[%dma_start3A_31] : memref<6400xi32, #tpu.memory_space<vmem>> -> memref<400xi32, #tpu.memory_space<vmem>>
    %dma_start3A_33 = arith.constant 0 : i32
    %dma_start3A_34 = arith.constant 0 : i32
    %dma_start3A_35 = tpu.memref_slice %arg2[%dma_start3A_33, %dma_start3A_34] : memref<500000x128xf32, #tpu.memory_space<hbm>> -> memref<500000x128xf32, #tpu.memory_space<hbm>>
    tpu.enqueue_indirect_dma source(%dma_start3A_35 : memref<500000x128xf32, #tpu.memory_space<hbm>>) target(%arg6 : memref<400x128xf32, #tpu.memory_space<vmem>>) offsets(%dma_start3A_32 : memref<400xi32, #tpu.memory_space<vmem>>) semaphore(%arg8 : memref<!tpu.dma_semaphore, #tpu.memory_space<semaphore_mem>>)
    %add3A_36 = arith.constant 400 : i32
    %add3A_37 = arith.addi %mul3A_2, %add3A_36 : i32
    %dma_start3A_38 = arith.constant 0 : i32
    %dma_start3A_39 = tpu.memref_slice %arg4[%add3A_37, %dma_start3A_38] : memref<204800x128xf32, #tpu.memory_space<hbm>> -> memref<400x128xf32, #tpu.memory_space<hbm>>
    %dma_start3A_40 = arith.constant 0 : i32
    %dma_start3A_41 = tpu.memref_slice %arg4[%add3A_37, %dma_start3A_40] : memref<204800x128xf32, #tpu.memory_space<hbm>> -> memref<400x128xf32, #tpu.memory_space<hbm>>
    tpu.enqueue_dma source(%arg7 : memref<400x128xf32, #tpu.memory_space<vmem>>) target(%dma_start3A_41 : memref<400x128xf32, #tpu.memory_space<hbm>>) target_semaphore(%arg9 : memref<!tpu.dma_semaphore, #tpu.memory_space<semaphore_mem>>)
    %dma_wait3A_42 = arith.constant 800 : i32
    %dma_wait3A_43 = tpu.memref_slice %arg5[%dma_wait3A_42] : memref<6400xi32, #tpu.memory_space<vmem>> -> memref<400xi32, #tpu.memory_space<vmem>>
    %dma_wait3A_44 = arith.constant 0 : i32
    %dma_wait3A_45 = arith.constant 0 : i32
    %dma_wait3A_46 = tpu.memref_slice %arg2[%dma_wait3A_44, %dma_wait3A_45] : memref<500000x128xf32, #tpu.memory_space<hbm>> -> memref<500000x128xf32, #tpu.memory_space<hbm>>
    tpu.wait_indirect_dma semaphore(%arg8 : memref<!tpu.dma_semaphore, #tpu.memory_space<semaphore_mem>>) src(%dma_wait3A_46 : memref<500000x128xf32, #tpu.memory_space<hbm>>) dst(%arg6 : memref<400x128xf32, #tpu.memory_space<vmem>>)
    %dma_wait3A_47 = arith.constant 0 : i32
    %dma_wait3A_48 = tpu.memref_slice %arg4[%add3A_37, %dma_wait3A_47] : memref<204800x128xf32, #tpu.memory_space<hbm>> -> memref<400x128xf32, #tpu.memory_space<hbm>>
    %dma_wait3A_49 = arith.constant 0 : i32
    %dma_wait3A_50 = tpu.memref_slice %arg4[%add3A_37, %dma_wait3A_49] : memref<204800x128xf32, #tpu.memory_space<hbm>> -> memref<400x128xf32, #tpu.memory_space<hbm>>
    tpu.wait_dma2 semaphore(%arg9 : memref<!tpu.dma_semaphore, #tpu.memory_space<semaphore_mem>>) src(%arg7 : memref<400x128xf32, #tpu.memory_space<vmem>>) dst(%dma_wait3A_50 : memref<400x128xf32, #tpu.memory_space<hbm>>)
    %dma_start3A_51 = arith.constant 1200 : i32
    %dma_start3A_52 = tpu.memref_slice %arg5[%dma_start3A_51] : memref<6400xi32, #tpu.memory_space<vmem>> -> memref<400xi32, #tpu.memory_space<vmem>>
    %dma_start3A_53 = arith.constant 0 : i32
    %dma_start3A_54 = arith.constant 0 : i32
    %dma_start3A_55 = tpu.memref_slice %arg2[%dma_start3A_53, %dma_start3A_54] : memref<500000x128xf32, #tpu.memory_space<hbm>> -> memref<500000x128xf32, #tpu.memory_space<hbm>>
    tpu.enqueue_indirect_dma source(%dma_start3A_55 : memref<500000x128xf32, #tpu.memory_space<hbm>>) target(%arg7 : memref<400x128xf32, #tpu.memory_space<vmem>>) offsets(%dma_start3A_52 : memref<400xi32, #tpu.memory_space<vmem>>) semaphore(%arg8 : memref<!tpu.dma_semaphore, #tpu.memory_space<semaphore_mem>>)
    %add3A_56 = arith.constant 800 : i32
    %add3A_57 = arith.addi %mul3A_2, %add3A_56 : i32
    %dma_start3A_58 = arith.constant 0 : i32
    %dma_start3A_59 = tpu.memref_slice %arg4[%add3A_57, %dma_start3A_58] : memref<204800x128xf32, #tpu.memory_space<hbm>> -> memref<400x128xf32, #tpu.memory_space<hbm>>
    %dma_start3A_60 = arith.constant 0 : i32
    %dma_start3A_61 = tpu.memref_slice %arg4[%add3A_57, %dma_start3A_60] : memref<204800x128xf32, #tpu.memory_space<hbm>> -> memref<400x128xf32, #tpu.memory_space<hbm>>
    tpu.enqueue_dma source(%arg6 : memref<400x128xf32, #tpu.memory_space<vmem>>) target(%dma_start3A_61 : memref<400x128xf32, #tpu.memory_space<hbm>>) target_semaphore(%arg9 : memref<!tpu.dma_semaphore, #tpu.memory_space<semaphore_mem>>)
    %dma_wait3A_62 = arith.constant 1200 : i32
    %dma_wait3A_63 = tpu.memref_slice %arg5[%dma_wait3A_62] : memref<6400xi32, #tpu.memory_space<vmem>> -> memref<400xi32, #tpu.memory_space<vmem>>
    %dma_wait3A_64 = arith.constant 0 : i32
    %dma_wait3A_65 = arith.constant 0 : i32
    %dma_wait3A_66 = tpu.memref_slice %arg2[%dma_wait3A_64, %dma_wait3A_65] : memref<500000x128xf32, #tpu.memory_space<hbm>> -> memref<500000x128xf32, #tpu.memory_space<hbm>>
    tpu.wait_indirect_dma semaphore(%arg8 : memref<!tpu.dma_semaphore, #tpu.memory_space<semaphore_mem>>) src(%dma_wait3A_66 : memref<500000x128xf32, #tpu.memory_space<hbm>>) dst(%arg7 : memref<400x128xf32, #tpu.memory_space<vmem>>)
    %dma_wait3A_67 = arith.constant 0 : i32
    %dma_wait3A_68 = tpu.memref_slice %arg4[%add3A_57, %dma_wait3A_67] : memref<204800x128xf32, #tpu.memory_space<hbm>> -> memref<400x128xf32, #tpu.memory_space<hbm>>
    %dma_wait3A_69 = arith.constant 0 : i32
    %dma_wait3A_70 = tpu.memref_slice %arg4[%add3A_57, %dma_wait3A_69] : memref<204800x128xf32, #tpu.memory_space<hbm>> -> memref<400x128xf32, #tpu.memory_space<hbm>>
    tpu.wait_dma2 semaphore(%arg9 : memref<!tpu.dma_semaphore, #tpu.memory_space<semaphore_mem>>) src(%arg6 : memref<400x128xf32, #tpu.memory_space<vmem>>) dst(%dma_wait3A_70 : memref<400x128xf32, #tpu.memory_space<hbm>>)
    %dma_start3A_71 = arith.constant 1600 : i32
    %dma_start3A_72 = tpu.memref_slice %arg5[%dma_start3A_71] : memref<6400xi32, #tpu.memory_space<vmem>> -> memref<400xi32, #tpu.memory_space<vmem>>
    %dma_start3A_73 = arith.constant 0 : i32
    %dma_start3A_74 = arith.constant 0 : i32
    %dma_start3A_75 = tpu.memref_slice %arg2[%dma_start3A_73, %dma_start3A_74] : memref<500000x128xf32, #tpu.memory_space<hbm>> -> memref<500000x128xf32, #tpu.memory_space<hbm>>
    tpu.enqueue_indirect_dma source(%dma_start3A_75 : memref<500000x128xf32, #tpu.memory_space<hbm>>) target(%arg6 : memref<400x128xf32, #tpu.memory_space<vmem>>) offsets(%dma_start3A_72 : memref<400xi32, #tpu.memory_space<vmem>>) semaphore(%arg8 : memref<!tpu.dma_semaphore, #tpu.memory_space<semaphore_mem>>)
    %add3A_76 = arith.constant 1200 : i32
    %add3A_77 = arith.addi %mul3A_2, %add3A_76 : i32
    %dma_start3A_78 = arith.constant 0 : i32
    %dma_start3A_79 = tpu.memref_slice %arg4[%add3A_77, %dma_start3A_78] : memref<204800x128xf32, #tpu.memory_space<hbm>> -> memref<400x128xf32, #tpu.memory_space<hbm>>
    %dma_start3A_80 = arith.constant 0 : i32
    %dma_start3A_81 = tpu.memref_slice %arg4[%add3A_77, %dma_start3A_80] : memref<204800x128xf32, #tpu.memory_space<hbm>> -> memref<400x128xf32, #tpu.memory_space<hbm>>
    tpu.enqueue_dma source(%arg7 : memref<400x128xf32, #tpu.memory_space<vmem>>) target(%dma_start3A_81 : memref<400x128xf32, #tpu.memory_space<hbm>>) target_semaphore(%arg9 : memref<!tpu.dma_semaphore, #tpu.memory_space<semaphore_mem>>)
    %dma_wait3A_82 = arith.constant 1600 : i32
    %dma_wait3A_83 = tpu.memref_slice %arg5[%dma_wait3A_82] : memref<6400xi32, #tpu.memory_space<vmem>> -> memref<400xi32, #tpu.memory_space<vmem>>
    %dma_wait3A_84 = arith.constant 0 : i32
    %dma_wait3A_85 = arith.constant 0 : i32
    %dma_wait3A_86 = tpu.memref_slice %arg2[%dma_wait3A_84, %dma_wait3A_85] : memref<500000x128xf32, #tpu.memory_space<hbm>> -> memref<500000x128xf32, #tpu.memory_space<hbm>>
    tpu.wait_indirect_dma semaphore(%arg8 : memref<!tpu.dma_semaphore, #tpu.memory_space<semaphore_mem>>) src(%dma_wait3A_86 : memref<500000x128xf32, #tpu.memory_space<hbm>>) dst(%arg6 : memref<400x128xf32, #tpu.memory_space<vmem>>)
    %dma_wait3A_87 = arith.constant 0 : i32
    %dma_wait3A_88 = tpu.memref_slice %arg4[%add3A_77, %dma_wait3A_87] : memref<204800x128xf32, #tpu.memory_space<hbm>> -> memref<400x128xf32, #tpu.memory_space<hbm>>
    %dma_wait3A_89 = arith.constant 0 : i32
    %dma_wait3A_90 = tpu.memref_slice %arg4[%add3A_77, %dma_wait3A_89] : memref<204800x128xf32, #tpu.memory_space<hbm>> -> memref<400x128xf32, #tpu.memory_space<hbm>>
    tpu.wait_dma2 semaphore(%arg9 : memref<!tpu.dma_semaphore, #tpu.memory_space<semaphore_mem>>) src(%arg7 : memref<400x128xf32, #tpu.memory_space<vmem>>) dst(%dma_wait3A_90 : memref<400x128xf32, #tpu.memory_space<hbm>>)
    %dma_start3A_91 = arith.constant 2000 : i32
    %dma_start3A_92 = tpu.memref_slice %arg5[%dma_start3A_91] : memref<6400xi32, #tpu.memory_space<vmem>> -> memref<400xi32, #tpu.memory_space<vmem>>
    %dma_start3A_93 = arith.constant 0 : i32
    %dma_start3A_94 = arith.constant 0 : i32
    %dma_start3A_95 = tpu.memref_slice %arg2[%dma_start3A_93, %dma_start3A_94] : memref<500000x128xf32, #tpu.memory_space<hbm>> -> memref<500000x128xf32, #tpu.memory_space<hbm>>
    tpu.enqueue_indirect_dma source(%dma_start3A_95 : memref<500000x128xf32, #tpu.memory_space<hbm>>) target(%arg7 : memref<400x128xf32, #tpu.memory_space<vmem>>) offsets(%dma_start3A_92 : memref<400xi32, #tpu.memory_space<vmem>>) semaphore(%arg8 : memref<!tpu.dma_semaphore, #tpu.memory_space<semaphore_mem>>)
    %add3A_96 = arith.constant 1600 : i32
    %add3A_97 = arith.addi %mul3A_2, %add3A_96 : i32
    %dma_start3A_98 = arith.constant 0 : i32
    %dma_start3A_99 = tpu.memref_slice %arg4[%add3A_97, %dma_start3A_98] : memref<204800x128xf32, #tpu.memory_space<hbm>> -> memref<400x128xf32, #tpu.memory_space<hbm>>
    %dma_start3A_100 = arith.constant 0 : i32
    %dma_start3A_101 = tpu.memref_slice %arg4[%add3A_97, %dma_start3A_100] : memref<204800x128xf32, #tpu.memory_space<hbm>> -> memref<400x128xf32, #tpu.memory_space<hbm>>
    tpu.enqueue_dma source(%arg6 : memref<400x128xf32, #tpu.memory_space<vmem>>) target(%dma_start3A_101 : memref<400x128xf32, #tpu.memory_space<hbm>>) target_semaphore(%arg9 : memref<!tpu.dma_semaphore, #tpu.memory_space<semaphore_mem>>)
    %dma_wait3A_102 = arith.constant 2000 : i32
    %dma_wait3A_103 = tpu.memref_slice %arg5[%dma_wait3A_102] : memref<6400xi32, #tpu.memory_space<vmem>> -> memref<400xi32, #tpu.memory_space<vmem>>
    %dma_wait3A_104 = arith.constant 0 : i32
    %dma_wait3A_105 = arith.constant 0 : i32
    %dma_wait3A_106 = tpu.memref_slice %arg2[%dma_wait3A_104, %dma_wait3A_105] : memref<500000x128xf32, #tpu.memory_space<hbm>> -> memref<500000x128xf32, #tpu.memory_space<hbm>>
    tpu.wait_indirect_dma semaphore(%arg8 : memref<!tpu.dma_semaphore, #tpu.memory_space<semaphore_mem>>) src(%dma_wait3A_106 : memref<500000x128xf32, #tpu.memory_space<hbm>>) dst(%arg7 : memref<400x128xf32, #tpu.memory_space<vmem>>)
    %dma_wait3A_107 = arith.constant 0 : i32
    %dma_wait3A_108 = tpu.memref_slice %arg4[%add3A_97, %dma_wait3A_107] : memref<204800x128xf32, #tpu.memory_space<hbm>> -> memref<400x128xf32, #tpu.memory_space<hbm>>
    %dma_wait3A_109 = arith.constant 0 : i32
    %dma_wait3A_110 = tpu.memref_slice %arg4[%add3A_97, %dma_wait3A_109] : memref<204800x128xf32, #tpu.memory_space<hbm>> -> memref<400x128xf32, #tpu.memory_space<hbm>>
    tpu.wait_dma2 semaphore(%arg9 : memref<!tpu.dma_semaphore, #tpu.memory_space<semaphore_mem>>) src(%arg6 : memref<400x128xf32, #tpu.memory_space<vmem>>) dst(%dma_wait3A_110 : memref<400x128xf32, #tpu.memory_space<hbm>>)
    %dma_start3A_111 = arith.constant 2400 : i32
    %dma_start3A_112 = tpu.memref_slice %arg5[%dma_start3A_111] : memref<6400xi32, #tpu.memory_space<vmem>> -> memref<400xi32, #tpu.memory_space<vmem>>
    %dma_start3A_113 = arith.constant 0 : i32
    %dma_start3A_114 = arith.constant 0 : i32
    %dma_start3A_115 = tpu.memref_slice %arg2[%dma_start3A_113, %dma_start3A_114] : memref<500000x128xf32, #tpu.memory_space<hbm>> -> memref<500000x128xf32, #tpu.memory_space<hbm>>
    tpu.enqueue_indirect_dma source(%dma_start3A_115 : memref<500000x128xf32, #tpu.memory_space<hbm>>) target(%arg6 : memref<400x128xf32, #tpu.memory_space<vmem>>) offsets(%dma_start3A_112 : memref<400xi32, #tpu.memory_space<vmem>>) semaphore(%arg8 : memref<!tpu.dma_semaphore, #tpu.memory_space<semaphore_mem>>)
    %add3A_116 = arith.constant 2000 : i32
    %add3A_117 = arith.addi %mul3A_2, %add3A_116 : i32
    %dma_start3A_118 = arith.constant 0 : i32
    %dma_start3A_119 = tpu.memref_slice %arg4[%add3A_117, %dma_start3A_118] : memref<204800x128xf32, #tpu.memory_space<hbm>> -> memref<400x128xf32, #tpu.memory_space<hbm>>
    %dma_start3A_120 = arith.constant 0 : i32
    %dma_start3A_121 = tpu.memref_slice %arg4[%add3A_117, %dma_start3A_120] : memref<204800x128xf32, #tpu.memory_space<hbm>> -> memref<400x128xf32, #tpu.memory_space<hbm>>
    tpu.enqueue_dma source(%arg7 : memref<400x128xf32, #tpu.memory_space<vmem>>) target(%dma_start3A_121 : memref<400x128xf32, #tpu.memory_space<hbm>>) target_semaphore(%arg9 : memref<!tpu.dma_semaphore, #tpu.memory_space<semaphore_mem>>)
    %dma_wait3A_122 = arith.constant 2400 : i32
    %dma_wait3A_123 = tpu.memref_slice %arg5[%dma_wait3A_122] : memref<6400xi32, #tpu.memory_space<vmem>> -> memref<400xi32, #tpu.memory_space<vmem>>
    %dma_wait3A_124 = arith.constant 0 : i32
    %dma_wait3A_125 = arith.constant 0 : i32
    %dma_wait3A_126 = tpu.memref_slice %arg2[%dma_wait3A_124, %dma_wait3A_125] : memref<500000x128xf32, #tpu.memory_space<hbm>> -> memref<500000x128xf32, #tpu.memory_space<hbm>>
    tpu.wait_indirect_dma semaphore(%arg8 : memref<!tpu.dma_semaphore, #tpu.memory_space<semaphore_mem>>) src(%dma_wait3A_126 : memref<500000x128xf32, #tpu.memory_space<hbm>>) dst(%arg6 : memref<400x128xf32, #tpu.memory_space<vmem>>)
    %dma_wait3A_127 = arith.constant 0 : i32
    %dma_wait3A_128 = tpu.memref_slice %arg4[%add3A_117, %dma_wait3A_127] : memref<204800x128xf32, #tpu.memory_space<hbm>> -> memref<400x128xf32, #tpu.memory_space<hbm>>
    %dma_wait3A_129 = arith.constant 0 : i32
    %dma_wait3A_130 = tpu.memref_slice %arg4[%add3A_117, %dma_wait3A_129] : memref<204800x128xf32, #tpu.memory_space<hbm>> -> memref<400x128xf32, #tpu.memory_space<hbm>>
    tpu.wait_dma2 semaphore(%arg9 : memref<!tpu.dma_semaphore, #tpu.memory_space<semaphore_mem>>) src(%arg7 : memref<400x128xf32, #tpu.memory_space<vmem>>) dst(%dma_wait3A_130 : memref<400x128xf32, #tpu.memory_space<hbm>>)
    %dma_start3A_131 = arith.constant 2800 : i32
    %dma_start3A_132 = tpu.memref_slice %arg5[%dma_start3A_131] : memref<6400xi32, #tpu.memory_space<vmem>> -> memref<400xi32, #tpu.memory_space<vmem>>
    %dma_start3A_133 = arith.constant 0 : i32
    %dma_start3A_134 = arith.constant 0 : i32
    %dma_start3A_135 = tpu.memref_slice %arg2[%dma_start3A_133, %dma_start3A_134] : memref<500000x128xf32, #tpu.memory_space<hbm>> -> memref<500000x128xf32, #tpu.memory_space<hbm>>
    tpu.enqueue_indirect_dma source(%dma_start3A_135 : memref<500000x128xf32, #tpu.memory_space<hbm>>) target(%arg7 : memref<400x128xf32, #tpu.memory_space<vmem>>) offsets(%dma_start3A_132 : memref<400xi32, #tpu.memory_space<vmem>>) semaphore(%arg8 : memref<!tpu.dma_semaphore, #tpu.memory_space<semaphore_mem>>)
    %add3A_136 = arith.constant 2400 : i32
    %add3A_137 = arith.addi %mul3A_2, %add3A_136 : i32
    %dma_start3A_138 = arith.constant 0 : i32
    %dma_start3A_139 = tpu.memref_slice %arg4[%add3A_137, %dma_start3A_138] : memref<204800x128xf32, #tpu.memory_space<hbm>> -> memref<400x128xf32, #tpu.memory_space<hbm>>
    %dma_start3A_140 = arith.constant 0 : i32
    %dma_start3A_141 = tpu.memref_slice %arg4[%add3A_137, %dma_start3A_140] : memref<204800x128xf32, #tpu.memory_space<hbm>> -> memref<400x128xf32, #tpu.memory_space<hbm>>
    tpu.enqueue_dma source(%arg6 : memref<400x128xf32, #tpu.memory_space<vmem>>) target(%dma_start3A_141 : memref<400x128xf32, #tpu.memory_space<hbm>>) target_semaphore(%arg9 : memref<!tpu.dma_semaphore, #tpu.memory_space<semaphore_mem>>)
    %dma_wait3A_142 = arith.constant 2800 : i32
    %dma_wait3A_143 = tpu.memref_slice %arg5[%dma_wait3A_142] : memref<6400xi32, #tpu.memory_space<vmem>> -> memref<400xi32, #tpu.memory_space<vmem>>
    %dma_wait3A_144 = arith.constant 0 : i32
    %dma_wait3A_145 = arith.constant 0 : i32
    %dma_wait3A_146 = tpu.memref_slice %arg2[%dma_wait3A_144, %dma_wait3A_145] : memref<500000x128xf32, #tpu.memory_space<hbm>> -> memref<500000x128xf32, #tpu.memory_space<hbm>>
    tpu.wait_indirect_dma semaphore(%arg8 : memref<!tpu.dma_semaphore, #tpu.memory_space<semaphore_mem>>) src(%dma_wait3A_146 : memref<500000x128xf32, #tpu.memory_space<hbm>>) dst(%arg7 : memref<400x128xf32, #tpu.memory_space<vmem>>)
    %dma_wait3A_147 = arith.constant 0 : i32
    %dma_wait3A_148 = tpu.memref_slice %arg4[%add3A_137, %dma_wait3A_147] : memref<204800x128xf32, #tpu.memory_space<hbm>> -> memref<400x128xf32, #tpu.memory_space<hbm>>
    %dma_wait3A_149 = arith.constant 0 : i32
    %dma_wait3A_150 = tpu.memref_slice %arg4[%add3A_137, %dma_wait3A_149] : memref<204800x128xf32, #tpu.memory_space<hbm>> -> memref<400x128xf32, #tpu.memory_space<hbm>>
    tpu.wait_dma2 semaphore(%arg9 : memref<!tpu.dma_semaphore, #tpu.memory_space<semaphore_mem>>) src(%arg6 : memref<400x128xf32, #tpu.memory_space<vmem>>) dst(%dma_wait3A_150 : memref<400x128xf32, #tpu.memory_space<hbm>>)
    %dma_start3A_151 = arith.constant 3200 : i32
    %dma_start3A_152 = tpu.memref_slice %arg5[%dma_start3A_151] : memref<6400xi32, #tpu.memory_space<vmem>> -> memref<400xi32, #tpu.memory_space<vmem>>
    %dma_start3A_153 = arith.constant 0 : i32
    %dma_start3A_154 = arith.constant 0 : i32
    %dma_start3A_155 = tpu.memref_slice %arg2[%dma_start3A_153, %dma_start3A_154] : memref<500000x128xf32, #tpu.memory_space<hbm>> -> memref<500000x128xf32, #tpu.memory_space<hbm>>
    tpu.enqueue_indirect_dma source(%dma_start3A_155 : memref<500000x128xf32, #tpu.memory_space<hbm>>) target(%arg6 : memref<400x128xf32, #tpu.memory_space<vmem>>) offsets(%dma_start3A_152 : memref<400xi32, #tpu.memory_space<vmem>>) semaphore(%arg8 : memref<!tpu.dma_semaphore, #tpu.memory_space<semaphore_mem>>)
    %add3A_156 = arith.constant 2800 : i32
    %add3A_157 = arith.addi %mul3A_2, %add3A_156 : i32
    %dma_start3A_158 = arith.constant 0 : i32
    %dma_start3A_159 = tpu.memref_slice %arg4[%add3A_157, %dma_start3A_158] : memref<204800x128xf32, #tpu.memory_space<hbm>> -> memref<400x128xf32, #tpu.memory_space<hbm>>
    %dma_start3A_160 = arith.constant 0 : i32
    %dma_start3A_161 = tpu.memref_slice %arg4[%add3A_157, %dma_start3A_160] : memref<204800x128xf32, #tpu.memory_space<hbm>> -> memref<400x128xf32, #tpu.memory_space<hbm>>
    tpu.enqueue_dma source(%arg7 : memref<400x128xf32, #tpu.memory_space<vmem>>) target(%dma_start3A_161 : memref<400x128xf32, #tpu.memory_space<hbm>>) target_semaphore(%arg9 : memref<!tpu.dma_semaphore, #tpu.memory_space<semaphore_mem>>)
    %dma_wait3A_162 = arith.constant 3200 : i32
    %dma_wait3A_163 = tpu.memref_slice %arg5[%dma_wait3A_162] : memref<6400xi32, #tpu.memory_space<vmem>> -> memref<400xi32, #tpu.memory_space<vmem>>
    %dma_wait3A_164 = arith.constant 0 : i32
    %dma_wait3A_165 = arith.constant 0 : i32
    %dma_wait3A_166 = tpu.memref_slice %arg2[%dma_wait3A_164, %dma_wait3A_165] : memref<500000x128xf32, #tpu.memory_space<hbm>> -> memref<500000x128xf32, #tpu.memory_space<hbm>>
    tpu.wait_indirect_dma semaphore(%arg8 : memref<!tpu.dma_semaphore, #tpu.memory_space<semaphore_mem>>) src(%dma_wait3A_166 : memref<500000x128xf32, #tpu.memory_space<hbm>>) dst(%arg6 : memref<400x128xf32, #tpu.memory_space<vmem>>)
    %dma_wait3A_167 = arith.constant 0 : i32
    %dma_wait3A_168 = tpu.memref_slice %arg4[%add3A_157, %dma_wait3A_167] : memref<204800x128xf32, #tpu.memory_space<hbm>> -> memref<400x128xf32, #tpu.memory_space<hbm>>
    %dma_wait3A_169 = arith.constant 0 : i32
    %dma_wait3A_170 = tpu.memref_slice %arg4[%add3A_157, %dma_wait3A_169] : memref<204800x128xf32, #tpu.memory_space<hbm>> -> memref<400x128xf32, #tpu.memory_space<hbm>>
    tpu.wait_dma2 semaphore(%arg9 : memref<!tpu.dma_semaphore, #tpu.memory_space<semaphore_mem>>) src(%arg7 : memref<400x128xf32, #tpu.memory_space<vmem>>) dst(%dma_wait3A_170 : memref<400x128xf32, #tpu.memory_space<hbm>>)
    %dma_start3A_171 = arith.constant 3600 : i32
    %dma_start3A_172 = tpu.memref_slice %arg5[%dma_start3A_171] : memref<6400xi32, #tpu.memory_space<vmem>> -> memref<400xi32, #tpu.memory_space<vmem>>
    %dma_start3A_173 = arith.constant 0 : i32
    %dma_start3A_174 = arith.constant 0 : i32
    %dma_start3A_175 = tpu.memref_slice %arg2[%dma_start3A_173, %dma_start3A_174] : memref<500000x128xf32, #tpu.memory_space<hbm>> -> memref<500000x128xf32, #tpu.memory_space<hbm>>
    tpu.enqueue_indirect_dma source(%dma_start3A_175 : memref<500000x128xf32, #tpu.memory_space<hbm>>) target(%arg7 : memref<400x128xf32, #tpu.memory_space<vmem>>) offsets(%dma_start3A_172 : memref<400xi32, #tpu.memory_space<vmem>>) semaphore(%arg8 : memref<!tpu.dma_semaphore, #tpu.memory_space<semaphore_mem>>)
    %add3A_176 = arith.constant 3200 : i32
    %add3A_177 = arith.addi %mul3A_2, %add3A_176 : i32
    %dma_start3A_178 = arith.constant 0 : i32
    %dma_start3A_179 = tpu.memref_slice %arg4[%add3A_177, %dma_start3A_178] : memref<204800x128xf32, #tpu.memory_space<hbm>> -> memref<400x128xf32, #tpu.memory_space<hbm>>
    %dma_start3A_180 = arith.constant 0 : i32
    %dma_start3A_181 = tpu.memref_slice %arg4[%add3A_177, %dma_start3A_180] : memref<204800x128xf32, #tpu.memory_space<hbm>> -> memref<400x128xf32, #tpu.memory_space<hbm>>
    tpu.enqueue_dma source(%arg6 : memref<400x128xf32, #tpu.memory_space<vmem>>) target(%dma_start3A_181 : memref<400x128xf32, #tpu.memory_space<hbm>>) target_semaphore(%arg9 : memref<!tpu.dma_semaphore, #tpu.memory_space<semaphore_mem>>)
    %dma_wait3A_182 = arith.constant 3600 : i32
    %dma_wait3A_183 = tpu.memref_slice %arg5[%dma_wait3A_182] : memref<6400xi32, #tpu.memory_space<vmem>> -> memref<400xi32, #tpu.memory_space<vmem>>
    %dma_wait3A_184 = arith.constant 0 : i32
    %dma_wait3A_185 = arith.constant 0 : i32
    %dma_wait3A_186 = tpu.memref_slice %arg2[%dma_wait3A_184, %dma_wait3A_185] : memref<500000x128xf32, #tpu.memory_space<hbm>> -> memref<500000x128xf32, #tpu.memory_space<hbm>>
    tpu.wait_indirect_dma semaphore(%arg8 : memref<!tpu.dma_semaphore, #tpu.memory_space<semaphore_mem>>) src(%dma_wait3A_186 : memref<500000x128xf32, #tpu.memory_space<hbm>>) dst(%arg7 : memref<400x128xf32, #tpu.memory_space<vmem>>)
    %dma_wait3A_187 = arith.constant 0 : i32
    %dma_wait3A_188 = tpu.memref_slice %arg4[%add3A_177, %dma_wait3A_187] : memref<204800x128xf32, #tpu.memory_space<hbm>> -> memref<400x128xf32, #tpu.memory_space<hbm>>
    %dma_wait3A_189 = arith.constant 0 : i32
    %dma_wait3A_190 = tpu.memref_slice %arg4[%add3A_177, %dma_wait3A_189] : memref<204800x128xf32, #tpu.memory_space<hbm>> -> memref<400x128xf32, #tpu.memory_space<hbm>>
    tpu.wait_dma2 semaphore(%arg9 : memref<!tpu.dma_semaphore, #tpu.memory_space<semaphore_mem>>) src(%arg6 : memref<400x128xf32, #tpu.memory_space<vmem>>) dst(%dma_wait3A_190 : memref<400x128xf32, #tpu.memory_space<hbm>>)
    %dma_start3A_191 = arith.constant 4000 : i32
    %dma_start3A_192 = tpu.memref_slice %arg5[%dma_start3A_191] : memref<6400xi32, #tpu.memory_space<vmem>> -> memref<400xi32, #tpu.memory_space<vmem>>
    %dma_start3A_193 = arith.constant 0 : i32
    %dma_start3A_194 = arith.constant 0 : i32
    %dma_start3A_195 = tpu.memref_slice %arg2[%dma_start3A_193, %dma_start3A_194] : memref<500000x128xf32, #tpu.memory_space<hbm>> -> memref<500000x128xf32, #tpu.memory_space<hbm>>
    tpu.enqueue_indirect_dma source(%dma_start3A_195 : memref<500000x128xf32, #tpu.memory_space<hbm>>) target(%arg6 : memref<400x128xf32, #tpu.memory_space<vmem>>) offsets(%dma_start3A_192 : memref<400xi32, #tpu.memory_space<vmem>>) semaphore(%arg8 : memref<!tpu.dma_semaphore, #tpu.memory_space<semaphore_mem>>)
    %add3A_196 = arith.constant 3600 : i32
    %add3A_197 = arith.addi %mul3A_2, %add3A_196 : i32
    %dma_start3A_198 = arith.constant 0 : i32
    %dma_start3A_199 = tpu.memref_slice %arg4[%add3A_197, %dma_start3A_198] : memref<204800x128xf32, #tpu.memory_space<hbm>> -> memref<400x128xf32, #tpu.memory_space<hbm>>
    %dma_start3A_200 = arith.constant 0 : i32
    %dma_start3A_201 = tpu.memref_slice %arg4[%add3A_197, %dma_start3A_200] : memref<204800x128xf32, #tpu.memory_space<hbm>> -> memref<400x128xf32, #tpu.memory_space<hbm>>
    tpu.enqueue_dma source(%arg7 : memref<400x128xf32, #tpu.memory_space<vmem>>) target(%dma_start3A_201 : memref<400x128xf32, #tpu.memory_space<hbm>>) target_semaphore(%arg9 : memref<!tpu.dma_semaphore, #tpu.memory_space<semaphore_mem>>)
    %dma_wait3A_202 = arith.constant 4000 : i32
    %dma_wait3A_203 = tpu.memref_slice %arg5[%dma_wait3A_202] : memref<6400xi32, #tpu.memory_space<vmem>> -> memref<400xi32, #tpu.memory_space<vmem>>
    %dma_wait3A_204 = arith.constant 0 : i32
    %dma_wait3A_205 = arith.constant 0 : i32
    %dma_wait3A_206 = tpu.memref_slice %arg2[%dma_wait3A_204, %dma_wait3A_205] : memref<500000x128xf32, #tpu.memory_space<hbm>> -> memref<500000x128xf32, #tpu.memory_space<hbm>>
    tpu.wait_indirect_dma semaphore(%arg8 : memref<!tpu.dma_semaphore, #tpu.memory_space<semaphore_mem>>) src(%dma_wait3A_206 : memref<500000x128xf32, #tpu.memory_space<hbm>>) dst(%arg6 : memref<400x128xf32, #tpu.memory_space<vmem>>)
    %dma_wait3A_207 = arith.constant 0 : i32
    %dma_wait3A_208 = tpu.memref_slice %arg4[%add3A_197, %dma_wait3A_207] : memref<204800x128xf32, #tpu.memory_space<hbm>> -> memref<400x128xf32, #tpu.memory_space<hbm>>
    %dma_wait3A_209 = arith.constant 0 : i32
    %dma_wait3A_210 = tpu.memref_slice %arg4[%add3A_197, %dma_wait3A_209] : memref<204800x128xf32, #tpu.memory_space<hbm>> -> memref<400x128xf32, #tpu.memory_space<hbm>>
    tpu.wait_dma2 semaphore(%arg9 : memref<!tpu.dma_semaphore, #tpu.memory_space<semaphore_mem>>) src(%arg7 : memref<400x128xf32, #tpu.memory_space<vmem>>) dst(%dma_wait3A_210 : memref<400x128xf32, #tpu.memory_space<hbm>>)
    %dma_start3A_211 = arith.constant 4400 : i32
    %dma_start3A_212 = tpu.memref_slice %arg5[%dma_start3A_211] : memref<6400xi32, #tpu.memory_space<vmem>> -> memref<400xi32, #tpu.memory_space<vmem>>
    %dma_start3A_213 = arith.constant 0 : i32
    %dma_start3A_214 = arith.constant 0 : i32
    %dma_start3A_215 = tpu.memref_slice %arg2[%dma_start3A_213, %dma_start3A_214] : memref<500000x128xf32, #tpu.memory_space<hbm>> -> memref<500000x128xf32, #tpu.memory_space<hbm>>
    tpu.enqueue_indirect_dma source(%dma_start3A_215 : memref<500000x128xf32, #tpu.memory_space<hbm>>) target(%arg7 : memref<400x128xf32, #tpu.memory_space<vmem>>) offsets(%dma_start3A_212 : memref<400xi32, #tpu.memory_space<vmem>>) semaphore(%arg8 : memref<!tpu.dma_semaphore, #tpu.memory_space<semaphore_mem>>)
    %add3A_216 = arith.constant 4000 : i32
    %add3A_217 = arith.addi %mul3A_2, %add3A_216 : i32
    %dma_start3A_218 = arith.constant 0 : i32
    %dma_start3A_219 = tpu.memref_slice %arg4[%add3A_217, %dma_start3A_218] : memref<204800x128xf32, #tpu.memory_space<hbm>> -> memref<400x128xf32, #tpu.memory_space<hbm>>
    %dma_start3A_220 = arith.constant 0 : i32
    %dma_start3A_221 = tpu.memref_slice %arg4[%add3A_217, %dma_start3A_220] : memref<204800x128xf32, #tpu.memory_space<hbm>> -> memref<400x128xf32, #tpu.memory_space<hbm>>
    tpu.enqueue_dma source(%arg6 : memref<400x128xf32, #tpu.memory_space<vmem>>) target(%dma_start3A_221 : memref<400x128xf32, #tpu.memory_space<hbm>>) target_semaphore(%arg9 : memref<!tpu.dma_semaphore, #tpu.memory_space<semaphore_mem>>)
    %dma_wait3A_222 = arith.constant 4400 : i32
    %dma_wait3A_223 = tpu.memref_slice %arg5[%dma_wait3A_222] : memref<6400xi32, #tpu.memory_space<vmem>> -> memref<400xi32, #tpu.memory_space<vmem>>
    %dma_wait3A_224 = arith.constant 0 : i32
    %dma_wait3A_225 = arith.constant 0 : i32
    %dma_wait3A_226 = tpu.memref_slice %arg2[%dma_wait3A_224, %dma_wait3A_225] : memref<500000x128xf32, #tpu.memory_space<hbm>> -> memref<500000x128xf32, #tpu.memory_space<hbm>>
    tpu.wait_indirect_dma semaphore(%arg8 : memref<!tpu.dma_semaphore, #tpu.memory_space<semaphore_mem>>) src(%dma_wait3A_226 : memref<500000x128xf32, #tpu.memory_space<hbm>>) dst(%arg7 : memref<400x128xf32, #tpu.memory_space<vmem>>)
    %dma_wait3A_227 = arith.constant 0 : i32
    %dma_wait3A_228 = tpu.memref_slice %arg4[%add3A_217, %dma_wait3A_227] : memref<204800x128xf32, #tpu.memory_space<hbm>> -> memref<400x128xf32, #tpu.memory_space<hbm>>
    %dma_wait3A_229 = arith.constant 0 : i32
    %dma_wait3A_230 = tpu.memref_slice %arg4[%add3A_217, %dma_wait3A_229] : memref<204800x128xf32, #tpu.memory_space<hbm>> -> memref<400x128xf32, #tpu.memory_space<hbm>>
    tpu.wait_dma2 semaphore(%arg9 : memref<!tpu.dma_semaphore, #tpu.memory_space<semaphore_mem>>) src(%arg6 : memref<400x128xf32, #tpu.memory_space<vmem>>) dst(%dma_wait3A_230 : memref<400x128xf32, #tpu.memory_space<hbm>>)
    %dma_start3A_231 = arith.constant 4800 : i32
    %dma_start3A_232 = tpu.memref_slice %arg5[%dma_start3A_231] : memref<6400xi32, #tpu.memory_space<vmem>> -> memref<400xi32, #tpu.memory_space<vmem>>
    %dma_start3A_233 = arith.constant 0 : i32
    %dma_start3A_234 = arith.constant 0 : i32
    %dma_start3A_235 = tpu.memref_slice %arg2[%dma_start3A_233, %dma_start3A_234] : memref<500000x128xf32, #tpu.memory_space<hbm>> -> memref<500000x128xf32, #tpu.memory_space<hbm>>
    tpu.enqueue_indirect_dma source(%dma_start3A_235 : memref<500000x128xf32, #tpu.memory_space<hbm>>) target(%arg6 : memref<400x128xf32, #tpu.memory_space<vmem>>) offsets(%dma_start3A_232 : memref<400xi32, #tpu.memory_space<vmem>>) semaphore(%arg8 : memref<!tpu.dma_semaphore, #tpu.memory_space<semaphore_mem>>)
    %add3A_236 = arith.constant 4400 : i32
    %add3A_237 = arith.addi %mul3A_2, %add3A_236 : i32
    %dma_start3A_238 = arith.constant 0 : i32
    %dma_start3A_239 = tpu.memref_slice %arg4[%add3A_237, %dma_start3A_238] : memref<204800x128xf32, #tpu.memory_space<hbm>> -> memref<400x128xf32, #tpu.memory_space<hbm>>
    %dma_start3A_240 = arith.constant 0 : i32
    %dma_start3A_241 = tpu.memref_slice %arg4[%add3A_237, %dma_start3A_240] : memref<204800x128xf32, #tpu.memory_space<hbm>> -> memref<400x128xf32, #tpu.memory_space<hbm>>
    tpu.enqueue_dma source(%arg7 : memref<400x128xf32, #tpu.memory_space<vmem>>) target(%dma_start3A_241 : memref<400x128xf32, #tpu.memory_space<hbm>>) target_semaphore(%arg9 : memref<!tpu.dma_semaphore, #tpu.memory_space<semaphore_mem>>)
    %dma_wait3A_242 = arith.constant 4800 : i32
    %dma_wait3A_243 = tpu.memref_slice %arg5[%dma_wait3A_242] : memref<6400xi32, #tpu.memory_space<vmem>> -> memref<400xi32, #tpu.memory_space<vmem>>
    %dma_wait3A_244 = arith.constant 0 : i32
    %dma_wait3A_245 = arith.constant 0 : i32
    %dma_wait3A_246 = tpu.memref_slice %arg2[%dma_wait3A_244, %dma_wait3A_245] : memref<500000x128xf32, #tpu.memory_space<hbm>> -> memref<500000x128xf32, #tpu.memory_space<hbm>>
    tpu.wait_indirect_dma semaphore(%arg8 : memref<!tpu.dma_semaphore, #tpu.memory_space<semaphore_mem>>) src(%dma_wait3A_246 : memref<500000x128xf32, #tpu.memory_space<hbm>>) dst(%arg6 : memref<400x128xf32, #tpu.memory_space<vmem>>)
    %dma_wait3A_247 = arith.constant 0 : i32
    %dma_wait3A_248 = tpu.memref_slice %arg4[%add3A_237, %dma_wait3A_247] : memref<204800x128xf32, #tpu.memory_space<hbm>> -> memref<400x128xf32, #tpu.memory_space<hbm>>
    %dma_wait3A_249 = arith.constant 0 : i32
    %dma_wait3A_250 = tpu.memref_slice %arg4[%add3A_237, %dma_wait3A_249] : memref<204800x128xf32, #tpu.memory_space<hbm>> -> memref<400x128xf32, #tpu.memory_space<hbm>>
    tpu.wait_dma2 semaphore(%arg9 : memref<!tpu.dma_semaphore, #tpu.memory_space<semaphore_mem>>) src(%arg7 : memref<400x128xf32, #tpu.memory_space<vmem>>) dst(%dma_wait3A_250 : memref<400x128xf32, #tpu.memory_space<hbm>>)
    %dma_start3A_251 = arith.constant 5200 : i32
    %dma_start3A_252 = tpu.memref_slice %arg5[%dma_start3A_251] : memref<6400xi32, #tpu.memory_space<vmem>> -> memref<400xi32, #tpu.memory_space<vmem>>
    %dma_start3A_253 = arith.constant 0 : i32
    %dma_start3A_254 = arith.constant 0 : i32
    %dma_start3A_255 = tpu.memref_slice %arg2[%dma_start3A_253, %dma_start3A_254] : memref<500000x128xf32, #tpu.memory_space<hbm>> -> memref<500000x128xf32, #tpu.memory_space<hbm>>
    tpu.enqueue_indirect_dma source(%dma_start3A_255 : memref<500000x128xf32, #tpu.memory_space<hbm>>) target(%arg7 : memref<400x128xf32, #tpu.memory_space<vmem>>) offsets(%dma_start3A_252 : memref<400xi32, #tpu.memory_space<vmem>>) semaphore(%arg8 : memref<!tpu.dma_semaphore, #tpu.memory_space<semaphore_mem>>)
    %add3A_256 = arith.constant 4800 : i32
    %add3A_257 = arith.addi %mul3A_2, %add3A_256 : i32
    %dma_start3A_258 = arith.constant 0 : i32
    %dma_start3A_259 = tpu.memref_slice %arg4[%add3A_257, %dma_start3A_258] : memref<204800x128xf32, #tpu.memory_space<hbm>> -> memref<400x128xf32, #tpu.memory_space<hbm>>
    %dma_start3A_260 = arith.constant 0 : i32
    %dma_start3A_261 = tpu.memref_slice %arg4[%add3A_257, %dma_start3A_260] : memref<204800x128xf32, #tpu.memory_space<hbm>> -> memref<400x128xf32, #tpu.memory_space<hbm>>
    tpu.enqueue_dma source(%arg6 : memref<400x128xf32, #tpu.memory_space<vmem>>) target(%dma_start3A_261 : memref<400x128xf32, #tpu.memory_space<hbm>>) target_semaphore(%arg9 : memref<!tpu.dma_semaphore, #tpu.memory_space<semaphore_mem>>)
    %dma_wait3A_262 = arith.constant 5200 : i32
    %dma_wait3A_263 = tpu.memref_slice %arg5[%dma_wait3A_262] : memref<6400xi32, #tpu.memory_space<vmem>> -> memref<400xi32, #tpu.memory_space<vmem>>
    %dma_wait3A_264 = arith.constant 0 : i32
    %dma_wait3A_265 = arith.constant 0 : i32
    %dma_wait3A_266 = tpu.memref_slice %arg2[%dma_wait3A_264, %dma_wait3A_265] : memref<500000x128xf32, #tpu.memory_space<hbm>> -> memref<500000x128xf32, #tpu.memory_space<hbm>>
    tpu.wait_indirect_dma semaphore(%arg8 : memref<!tpu.dma_semaphore, #tpu.memory_space<semaphore_mem>>) src(%dma_wait3A_266 : memref<500000x128xf32, #tpu.memory_space<hbm>>) dst(%arg7 : memref<400x128xf32, #tpu.memory_space<vmem>>)
    %dma_wait3A_267 = arith.constant 0 : i32
    %dma_wait3A_268 = tpu.memref_slice %arg4[%add3A_257, %dma_wait3A_267] : memref<204800x128xf32, #tpu.memory_space<hbm>> -> memref<400x128xf32, #tpu.memory_space<hbm>>
    %dma_wait3A_269 = arith.constant 0 : i32
    %dma_wait3A_270 = tpu.memref_slice %arg4[%add3A_257, %dma_wait3A_269] : memref<204800x128xf32, #tpu.memory_space<hbm>> -> memref<400x128xf32, #tpu.memory_space<hbm>>
    tpu.wait_dma2 semaphore(%arg9 : memref<!tpu.dma_semaphore, #tpu.memory_space<semaphore_mem>>) src(%arg6 : memref<400x128xf32, #tpu.memory_space<vmem>>) dst(%dma_wait3A_270 : memref<400x128xf32, #tpu.memory_space<hbm>>)
    %dma_start3A_271 = arith.constant 5600 : i32
    %dma_start3A_272 = tpu.memref_slice %arg5[%dma_start3A_271] : memref<6400xi32, #tpu.memory_space<vmem>> -> memref<400xi32, #tpu.memory_space<vmem>>
    %dma_start3A_273 = arith.constant 0 : i32
    %dma_start3A_274 = arith.constant 0 : i32
    %dma_start3A_275 = tpu.memref_slice %arg2[%dma_start3A_273, %dma_start3A_274] : memref<500000x128xf32, #tpu.memory_space<hbm>> -> memref<500000x128xf32, #tpu.memory_space<hbm>>
    tpu.enqueue_indirect_dma source(%dma_start3A_275 : memref<500000x128xf32, #tpu.memory_space<hbm>>) target(%arg6 : memref<400x128xf32, #tpu.memory_space<vmem>>) offsets(%dma_start3A_272 : memref<400xi32, #tpu.memory_space<vmem>>) semaphore(%arg8 : memref<!tpu.dma_semaphore, #tpu.memory_space<semaphore_mem>>)
    %add3A_276 = arith.constant 5200 : i32
    %add3A_277 = arith.addi %mul3A_2, %add3A_276 : i32
    %dma_start3A_278 = arith.constant 0 : i32
    %dma_start3A_279 = tpu.memref_slice %arg4[%add3A_277, %dma_start3A_278] : memref<204800x128xf32, #tpu.memory_space<hbm>> -> memref<400x128xf32, #tpu.memory_space<hbm>>
    %dma_start3A_280 = arith.constant 0 : i32
    %dma_start3A_281 = tpu.memref_slice %arg4[%add3A_277, %dma_start3A_280] : memref<204800x128xf32, #tpu.memory_space<hbm>> -> memref<400x128xf32, #tpu.memory_space<hbm>>
    tpu.enqueue_dma source(%arg7 : memref<400x128xf32, #tpu.memory_space<vmem>>) target(%dma_start3A_281 : memref<400x128xf32, #tpu.memory_space<hbm>>) target_semaphore(%arg9 : memref<!tpu.dma_semaphore, #tpu.memory_space<semaphore_mem>>)
    %dma_wait3A_282 = arith.constant 5600 : i32
    %dma_wait3A_283 = tpu.memref_slice %arg5[%dma_wait3A_282] : memref<6400xi32, #tpu.memory_space<vmem>> -> memref<400xi32, #tpu.memory_space<vmem>>
    %dma_wait3A_284 = arith.constant 0 : i32
    %dma_wait3A_285 = arith.constant 0 : i32
    %dma_wait3A_286 = tpu.memref_slice %arg2[%dma_wait3A_284, %dma_wait3A_285] : memref<500000x128xf32, #tpu.memory_space<hbm>> -> memref<500000x128xf32, #tpu.memory_space<hbm>>
    tpu.wait_indirect_dma semaphore(%arg8 : memref<!tpu.dma_semaphore, #tpu.memory_space<semaphore_mem>>) src(%dma_wait3A_286 : memref<500000x128xf32, #tpu.memory_space<hbm>>) dst(%arg6 : memref<400x128xf32, #tpu.memory_space<vmem>>)
    %dma_wait3A_287 = arith.constant 0 : i32
    %dma_wait3A_288 = tpu.memref_slice %arg4[%add3A_277, %dma_wait3A_287] : memref<204800x128xf32, #tpu.memory_space<hbm>> -> memref<400x128xf32, #tpu.memory_space<hbm>>
    %dma_wait3A_289 = arith.constant 0 : i32
    %dma_wait3A_290 = tpu.memref_slice %arg4[%add3A_277, %dma_wait3A_289] : memref<204800x128xf32, #tpu.memory_space<hbm>> -> memref<400x128xf32, #tpu.memory_space<hbm>>
    tpu.wait_dma2 semaphore(%arg9 : memref<!tpu.dma_semaphore, #tpu.memory_space<semaphore_mem>>) src(%arg7 : memref<400x128xf32, #tpu.memory_space<vmem>>) dst(%dma_wait3A_290 : memref<400x128xf32, #tpu.memory_space<hbm>>)
    %dma_start3A_291 = arith.constant 6000 : i32
    %dma_start3A_292 = tpu.memref_slice %arg5[%dma_start3A_291] : memref<6400xi32, #tpu.memory_space<vmem>> -> memref<400xi32, #tpu.memory_space<vmem>>
    %dma_start3A_293 = arith.constant 0 : i32
    %dma_start3A_294 = arith.constant 0 : i32
    %dma_start3A_295 = tpu.memref_slice %arg2[%dma_start3A_293, %dma_start3A_294] : memref<500000x128xf32, #tpu.memory_space<hbm>> -> memref<500000x128xf32, #tpu.memory_space<hbm>>
    tpu.enqueue_indirect_dma source(%dma_start3A_295 : memref<500000x128xf32, #tpu.memory_space<hbm>>) target(%arg7 : memref<400x128xf32, #tpu.memory_space<vmem>>) offsets(%dma_start3A_292 : memref<400xi32, #tpu.memory_space<vmem>>) semaphore(%arg8 : memref<!tpu.dma_semaphore, #tpu.memory_space<semaphore_mem>>)
    %add3A_296 = arith.constant 5600 : i32
    %add3A_297 = arith.addi %mul3A_2, %add3A_296 : i32
    %dma_start3A_298 = arith.constant 0 : i32
    %dma_start3A_299 = tpu.memref_slice %arg4[%add3A_297, %dma_start3A_298] : memref<204800x128xf32, #tpu.memory_space<hbm>> -> memref<400x128xf32, #tpu.memory_space<hbm>>
    %dma_start3A_300 = arith.constant 0 : i32
    %dma_start3A_301 = tpu.memref_slice %arg4[%add3A_297, %dma_start3A_300] : memref<204800x128xf32, #tpu.memory_space<hbm>> -> memref<400x128xf32, #tpu.memory_space<hbm>>
    tpu.enqueue_dma source(%arg6 : memref<400x128xf32, #tpu.memory_space<vmem>>) target(%dma_start3A_301 : memref<400x128xf32, #tpu.memory_space<hbm>>) target_semaphore(%arg9 : memref<!tpu.dma_semaphore, #tpu.memory_space<semaphore_mem>>)
    %dma_wait3A_302 = arith.constant 6000 : i32
    %dma_wait3A_303 = tpu.memref_slice %arg5[%dma_wait3A_302] : memref<6400xi32, #tpu.memory_space<vmem>> -> memref<400xi32, #tpu.memory_space<vmem>>
    %dma_wait3A_304 = arith.constant 0 : i32
    %dma_wait3A_305 = arith.constant 0 : i32
    %dma_wait3A_306 = tpu.memref_slice %arg2[%dma_wait3A_304, %dma_wait3A_305] : memref<500000x128xf32, #tpu.memory_space<hbm>> -> memref<500000x128xf32, #tpu.memory_space<hbm>>
    tpu.wait_indirect_dma semaphore(%arg8 : memref<!tpu.dma_semaphore, #tpu.memory_space<semaphore_mem>>) src(%dma_wait3A_306 : memref<500000x128xf32, #tpu.memory_space<hbm>>) dst(%arg7 : memref<400x128xf32, #tpu.memory_space<vmem>>)
    %add3A_307 = arith.constant 6000 : i32
    %add3A_308 = arith.addi %mul3A_2, %add3A_307 : i32
    %dma_start3A_309 = arith.constant 0 : i32
    %dma_start3A_310 = tpu.memref_slice %arg4[%add3A_308, %dma_start3A_309] : memref<204800x128xf32, #tpu.memory_space<hbm>> -> memref<400x128xf32, #tpu.memory_space<hbm>>
    %dma_start3A_311 = arith.constant 0 : i32
    %dma_start3A_312 = tpu.memref_slice %arg4[%add3A_308, %dma_start3A_311] : memref<204800x128xf32, #tpu.memory_space<hbm>> -> memref<400x128xf32, #tpu.memory_space<hbm>>
    tpu.enqueue_dma source(%arg7 : memref<400x128xf32, #tpu.memory_space<vmem>>) target(%dma_start3A_312 : memref<400x128xf32, #tpu.memory_space<hbm>>) target_semaphore(%arg9 : memref<!tpu.dma_semaphore, #tpu.memory_space<semaphore_mem>>)
    %dma_wait3A_313 = arith.constant 0 : i32
    %dma_wait3A_314 = tpu.memref_slice %arg4[%add3A_297, %dma_wait3A_313] : memref<204800x128xf32, #tpu.memory_space<hbm>> -> memref<400x128xf32, #tpu.memory_space<hbm>>
    %dma_wait3A_315 = arith.constant 0 : i32
    %dma_wait3A_316 = tpu.memref_slice %arg4[%add3A_297, %dma_wait3A_315] : memref<204800x128xf32, #tpu.memory_space<hbm>> -> memref<400x128xf32, #tpu.memory_space<hbm>>
    tpu.wait_dma2 semaphore(%arg9 : memref<!tpu.dma_semaphore, #tpu.memory_space<semaphore_mem>>) src(%arg6 : memref<400x128xf32, #tpu.memory_space<vmem>>) dst(%dma_wait3A_316 : memref<400x128xf32, #tpu.memory_space<hbm>>)
    %dma_wait3A_317 = arith.constant 0 : i32
    %dma_wait3A_318 = tpu.memref_slice %arg4[%add3A_308, %dma_wait3A_317] : memref<204800x128xf32, #tpu.memory_space<hbm>> -> memref<400x128xf32, #tpu.memory_space<hbm>>
    %dma_wait3A_319 = arith.constant 0 : i32
    %dma_wait3A_320 = tpu.memref_slice %arg4[%add3A_308, %dma_wait3A_319] : memref<204800x128xf32, #tpu.memory_space<hbm>> -> memref<400x128xf32, #tpu.memory_space<hbm>>
    tpu.wait_dma2 semaphore(%arg9 : memref<!tpu.dma_semaphore, #tpu.memory_space<semaphore_mem>>) src(%arg7 : memref<400x128xf32, #tpu.memory_space<vmem>>) dst(%dma_wait3A_320 : memref<400x128xf32, #tpu.memory_space<hbm>>)
    return
  }
}

module attributes {stable_mosaic.version = 14 : i64} {
  func.func @_lstm_body(%arg0: i32, %arg1: i32, %arg2: memref<1x4096x128xf32, #tpu.memory_space<vmem>>, %arg3: memref<1x4096x128xf32, #tpu.memory_space<vmem>>, %arg4: memref<1x4096x1xi8, #tpu.memory_space<vmem>>, %arg5: memref<1x4096x1xi8, #tpu.memory_space<vmem>>, %arg6: memref<4096x128xi32, #tpu.memory_space<vmem>>, %arg7: memref<256x512xf32, #tpu.memory_space<vmem>>, %arg8: memref<256x512xf32, #tpu.memory_space<vmem>>, %arg9: memref<8x512xf32, #tpu.memory_space<vmem>>, %arg10: memref<8x512xf32, #tpu.memory_space<vmem>>, %arg11: memref<256x256xf32, #tpu.memory_space<vmem>>, %arg12: memref<8x256xf32, #tpu.memory_space<vmem>>, %arg13: memref<256x128xf32, #tpu.memory_space<vmem>>, %arg14: memref<8x128xf32, #tpu.memory_space<vmem>>, %arg15: memref<4096x128xf32, #tpu.memory_space<vmem>>, %arg16: memref<4096x128xf32, #tpu.memory_space<vmem>>, %arg17: memref<4096x128xf32, #tpu.memory_space<vmem>>, %arg18: memref<4096x128xf32, #tpu.memory_space<vmem>>, %arg19: memref<4096x128xf32, #tpu.memory_space<vmem>>, %arg20: memref<4096x128xf32, #tpu.memory_space<vmem>>, %arg21: memref<4096x128xf32, #tpu.memory_space<vmem>>) attributes {dimension_semantics = [#tpu.dimension_semantics<arbitrary>, #tpu.dimension_semantics<arbitrary>], iteration_bounds = array<i64: 1, 50>, scalar_prefetch = 0 : i64, scratch_operands = 6 : i64, tpu.core_type = #tpu.core_type<tc>, window_params = [{transform_indices = @transform_0, window_bounds = array<i64: 1, 4096, 128>}, {transform_indices = @transform_1, window_bounds = array<i64: 1, 4096, 128>}, {transform_indices = @transform_2, window_bounds = array<i64: 1, 4096, 1>}, {transform_indices = @transform_3, window_bounds = array<i64: 1, 4096, 1>}, {transform_indices = @transform_4, window_bounds = array<i64: 4096, 128>}, {pipeline_mode = #tpu.pipeline_mode<synchronous>, transform_indices = @transform_5, window_bounds = array<i64: 256, 512>}, {pipeline_mode = #tpu.pipeline_mode<synchronous>, transform_indices = @transform_6, window_bounds = array<i64: 256, 512>}, {pipeline_mode = #tpu.pipeline_mode<synchronous>, transform_indices = @transform_7, window_bounds = array<i64: 8, 512>}, {pipeline_mode = #tpu.pipeline_mode<synchronous>, transform_indices = @transform_8, window_bounds = array<i64: 8, 512>}, {pipeline_mode = #tpu.pipeline_mode<synchronous>, transform_indices = @transform_9, window_bounds = array<i64: 256, 256>}, {pipeline_mode = #tpu.pipeline_mode<synchronous>, transform_indices = @transform_10, window_bounds = array<i64: 8, 256>}, {pipeline_mode = #tpu.pipeline_mode<synchronous>, transform_indices = @transform_11, window_bounds = array<i64: 256, 128>}, {pipeline_mode = #tpu.pipeline_mode<synchronous>, transform_indices = @transform_12, window_bounds = array<i64: 8, 128>}, {transform_indices = @transform_13, window_bounds = array<i64: 4096, 128>}]} {
    %eq3A = arith.constant 0 : i32
    %eq3A_0 = arith.cmpi eq, %arg1, %eq3A : i32
    %convert_element_type3A = arith.extui %eq3A_0 : i1 to i32
    %cond3A = arith.constant 0 : i32
    %cond3A_1 = arith.cmpi ne, %convert_element_type3A, %cond3A : i32
    scf.if %cond3A_1 {
      %broadcast_in_dim3A_162 = arith.constant 0.000000e+00 : f32
      %broadcast_in_dim3A_163 = vector.broadcast %broadcast_in_dim3A_162 : f32 to vector<4096x128xf32>
      %swap3A_164 = arith.constant 0 : index
      %swap3A_165 = arith.constant 0 : index
      %swap3A_166 = vector.load %arg16[%swap3A_164, %swap3A_165] : memref<4096x128xf32, #tpu.memory_space<vmem>>, vector<4096x128xf32>
      tpu.vector_store %arg16[%swap3A_164, %swap3A_165], %broadcast_in_dim3A_163 {strides = array<i32>} : memref<4096x128xf32, #tpu.memory_space<vmem>>, vector<4096x128xf32>,
      %swap3A_167 = arith.constant 0 : index
      %swap3A_168 = arith.constant 0 : index
      %swap3A_169 = vector.load %arg17[%swap3A_167, %swap3A_168] : memref<4096x128xf32, #tpu.memory_space<vmem>>, vector<4096x128xf32>
      tpu.vector_store %arg17[%swap3A_167, %swap3A_168], %broadcast_in_dim3A_163 {strides = array<i32>} : memref<4096x128xf32, #tpu.memory_space<vmem>>, vector<4096x128xf32>,
      %swap3A_170 = arith.constant 0 : index
      %swap3A_171 = arith.constant 0 : index
      %swap3A_172 = vector.load %arg18[%swap3A_170, %swap3A_171] : memref<4096x128xf32, #tpu.memory_space<vmem>>, vector<4096x128xf32>
      tpu.vector_store %arg18[%swap3A_170, %swap3A_171], %broadcast_in_dim3A_163 {strides = array<i32>} : memref<4096x128xf32, #tpu.memory_space<vmem>>, vector<4096x128xf32>,
      %swap3A_173 = arith.constant 0 : index
      %swap3A_174 = arith.constant 0 : index
      %swap3A_175 = vector.load %arg19[%swap3A_173, %swap3A_174] : memref<4096x128xf32, #tpu.memory_space<vmem>>, vector<4096x128xf32>
      tpu.vector_store %arg19[%swap3A_173, %swap3A_174], %broadcast_in_dim3A_163 {strides = array<i32>} : memref<4096x128xf32, #tpu.memory_space<vmem>>, vector<4096x128xf32>,
      %swap3A_176 = arith.constant 0 : index
      %swap3A_177 = arith.constant 0 : index
      %swap3A_178 = vector.load %arg20[%swap3A_176, %swap3A_177] : memref<4096x128xf32, #tpu.memory_space<vmem>>, vector<4096x128xf32>
      tpu.vector_store %arg20[%swap3A_176, %swap3A_177], %broadcast_in_dim3A_163 {strides = array<i32>} : memref<4096x128xf32, #tpu.memory_space<vmem>>, vector<4096x128xf32>,
      %swap3A_179 = arith.constant 0 : index
      %swap3A_180 = arith.constant 0 : index
      %swap3A_181 = vector.load %arg21[%swap3A_179, %swap3A_180] : memref<4096x128xf32, #tpu.memory_space<vmem>>, vector<4096x128xf32>
      tpu.vector_store %arg21[%swap3A_179, %swap3A_180], %broadcast_in_dim3A_163 {strides = array<i32>} : memref<4096x128xf32, #tpu.memory_space<vmem>>, vector<4096x128xf32>,
    } else {
    }
    %iota3A = tpu.iota {dimensions = array<i32: 1>} : vector<4096x128xi32>
    %ge3A = arith.constant 64 : i32
    %ge3A_2 = vector.broadcast %ge3A : i32 to vector<4096x128xi32>
    %ge3A_3 = arith.cmpi sge, %iota3A, %ge3A_2 : vector<4096x128xi32>
    %get3A = arith.constant 0 : index
    %get3A_4 = arith.constant 0 : index
    %get3A_5 = arith.constant 0 : index
    %get3A_6 = vector.load %arg4[%get3A, %get3A_4, %get3A_5] : memref<1x4096x1xi8, #tpu.memory_space<vmem>>, vector<1x4096x1xi8>
    %get3A_7 = vector.shape_cast %get3A_6 : vector<1x4096x1xi8> to vector<4096x1xi8>
    %ne3A = arith.constant 0 : i8
    %ne3A_8 = vector.broadcast %ne3A : i8 to vector<4096x1xi8>
    %ne3A_9 = arith.cmpi ne, %get3A_7, %ne3A_8 : vector<4096x1xi8>
    %eq3A_10 = vector.broadcast %ne3A_9 : vector<4096x1xi1> to vector<4096x128xi1>
    %eq3A_11 = vector.broadcast %eq3A_10 : vector<4096x128xi1> to vector<4096x128xi1>
    %eq3A_12 = arith.xori %eq3A_11, %ge3A_3 : vector<4096x128xi1>
    %eq3A_13 = arith.constant dense<true> : vector<4096x128xi1>
    %eq3A_14 = arith.xori %eq3A_12, %eq3A_13 : vector<4096x128xi1>
    %get3A_15 = arith.constant 0 : index
    %get3A_16 = arith.constant 0 : index
    %get3A_17 = arith.constant 0 : index
    %get3A_18 = vector.load %arg2[%get3A_15, %get3A_16, %get3A_17] : memref<1x4096x128xf32, #tpu.memory_space<vmem>>, vector<1x4096x128xf32>
    %get3A_19 = vector.shape_cast %get3A_18 : vector<1x4096x128xf32> to vector<4096x128xf32>
    %jit3A = arith.constant 0.000000e+00 : f32
    %broadcast_in_dim3A = vector.broadcast %jit3A : f32 to vector<4096x128xf32>
    %select_n3A = arith.select %eq3A_14, %get3A_19, %broadcast_in_dim3A : vector<4096x128xi1>, vector<4096x128xf32>
    %get3A_20 = arith.constant 0 : index
    %get3A_21 = arith.constant 0 : index
    %get3A_22 = vector.load %arg16[%get3A_20, %get3A_21] : memref<4096x128xf32, #tpu.memory_space<vmem>>, vector<4096x128xf32>
    %concatenate3A = tpu.concatenate %select_n3A, %get3A_22 in 1 : vector<4096x128xf32>, vector<4096x128xf32> -> vector<4096x256xf32>
    %get3A_23 = arith.constant 0 : index
    %get3A_24 = arith.constant 0 : index
    %get3A_25 = vector.load %arg7[%get3A_23, %get3A_24] : memref<256x512xf32, #tpu.memory_space<vmem>>, vector<256x512xf32>
    %dot_general3A = arith.constant dense<0.000000e+00> : vector<4096x512xf32>
    %dot_general3A_26 = tpu.matmul %concatenate3A, %get3A_25, %dot_general3A {dimension_numbers = #tpu.dot_dimension_numbers<[1], [0], [0], [1], [0, 0, 1, 1], [], []>, transpose_lhs_hint = false} : vector<4096x256xf32>, vector<256x512xf32>, vector<4096x512xf32> -> vector<4096x512xf32>
    %get3A_27 = arith.constant 0 : index
    %get3A_28 = arith.constant 0 : index
    %get3A_29 = vector.load %arg9[%get3A_27, %get3A_28] : memref<8x512xf32, #tpu.memory_space<vmem>>, vector<1x512xf32>
    %add3A = vector.broadcast %get3A_29 : vector<1x512xf32> to vector<4096x512xf32>
    %add3A_30 = arith.addf %dot_general3A_26, %add3A : vector<4096x512xf32>
    %slice3A = vector.extract_strided_slice %add3A_30 {offsets = [0, 0], sizes = [4096, 128], strides = [1, 1]} : vector<4096x512xf32> to vector<4096x128xf32>
    %logistic3A = arith.negf %slice3A : vector<4096x128xf32>
    %logistic3A_31 = math.exp %logistic3A : vector<4096x128xf32>
    %logistic3A_32 = arith.constant 1.000000e+00 : f32
    %logistic3A_33 = vector.broadcast %logistic3A_32 : f32 to vector<4096x128xf32>
    %logistic3A_34 = arith.addf %logistic3A_33, %logistic3A_31 : vector<4096x128xf32>
    %logistic3A_35 = arith.divf %logistic3A_33, %logistic3A_34 : vector<4096x128xf32>
    %slice3A_36 = vector.extract_strided_slice %add3A_30 {offsets = [0, 128], sizes = [4096, 128], strides = [1, 1]} : vector<4096x512xf32> to vector<4096x128xf32>
    %logistic3A_37 = arith.negf %slice3A_36 : vector<4096x128xf32>
    %logistic3A_38 = math.exp %logistic3A_37 : vector<4096x128xf32>
    %logistic3A_39 = arith.constant 1.000000e+00 : f32
    %logistic3A_40 = vector.broadcast %logistic3A_39 : f32 to vector<4096x128xf32>
    %logistic3A_41 = arith.addf %logistic3A_40, %logistic3A_38 : vector<4096x128xf32>
    %logistic3A_42 = arith.divf %logistic3A_40, %logistic3A_41 : vector<4096x128xf32>
    %slice3A_43 = vector.extract_strided_slice %add3A_30 {offsets = [0, 256], sizes = [4096, 128], strides = [1, 1]} : vector<4096x512xf32> to vector<4096x128xf32>
    %tanh3A = math.tanh %slice3A_43 : vector<4096x128xf32>
    %slice3A_44 = vector.extract_strided_slice %add3A_30 {offsets = [0, 384], sizes = [4096, 128], strides = [1, 1]} : vector<4096x512xf32> to vector<4096x128xf32>
    %logistic3A_45 = arith.negf %slice3A_44 : vector<4096x128xf32>
    %logistic3A_46 = math.exp %logistic3A_45 : vector<4096x128xf32>
    %logistic3A_47 = arith.constant 1.000000e+00 : f32
    %logistic3A_48 = vector.broadcast %logistic3A_47 : f32 to vector<4096x128xf32>
    %logistic3A_49 = arith.addf %logistic3A_48, %logistic3A_46 : vector<4096x128xf32>
    %logistic3A_50 = arith.divf %logistic3A_48, %logistic3A_49 : vector<4096x128xf32>
    %get3A_51 = arith.constant 0 : index
    %get3A_52 = arith.constant 0 : index
    %get3A_53 = vector.load %arg17[%get3A_51, %get3A_52] : memref<4096x128xf32, #tpu.memory_space<vmem>>, vector<4096x128xf32>
    %mul3A = arith.mulf %logistic3A_42, %get3A_53 : vector<4096x128xf32>
    %mul3A_54 = arith.mulf %logistic3A_35, %tanh3A : vector<4096x128xf32>
    %add3A_55 = arith.addf %mul3A, %mul3A_54 : vector<4096x128xf32>
    %tanh3A_56 = math.tanh %add3A_55 : vector<4096x128xf32>
    %mul3A_57 = arith.mulf %logistic3A_50, %tanh3A_56 : vector<4096x128xf32>
    %swap3A = arith.constant 0 : index
    %swap3A_58 = arith.constant 0 : index
    %swap3A_59 = vector.load %arg16[%swap3A, %swap3A_58] : memref<4096x128xf32, #tpu.memory_space<vmem>>, vector<4096x128xf32>
    tpu.vector_store %arg16[%swap3A, %swap3A_58], %mul3A_57 {strides = array<i32>} : memref<4096x128xf32, #tpu.memory_space<vmem>>, vector<4096x128xf32>,
    %swap3A_60 = arith.constant 0 : index
    %swap3A_61 = arith.constant 0 : index
    %swap3A_62 = vector.load %arg17[%swap3A_60, %swap3A_61] : memref<4096x128xf32, #tpu.memory_space<vmem>>, vector<4096x128xf32>
    tpu.vector_store %arg17[%swap3A_60, %swap3A_61], %add3A_55 {strides = array<i32>} : memref<4096x128xf32, #tpu.memory_space<vmem>>, vector<4096x128xf32>,
    %get3A_63 = arith.constant 0 : index
    %get3A_64 = arith.constant 0 : index
    %get3A_65 = arith.constant 0 : index
    %get3A_66 = vector.load %arg5[%get3A_63, %get3A_64, %get3A_65] : memref<1x4096x1xi8, #tpu.memory_space<vmem>>, vector<1x4096x1xi8>
    %get3A_67 = vector.shape_cast %get3A_66 : vector<1x4096x1xi8> to vector<4096x1xi8>
    %ne3A_68 = arith.constant 0 : i8
    %ne3A_69 = vector.broadcast %ne3A_68 : i8 to vector<4096x1xi8>
    %ne3A_70 = arith.cmpi ne, %get3A_67, %ne3A_69 : vector<4096x1xi8>
    %eq3A_71 = vector.broadcast %ne3A_70 : vector<4096x1xi1> to vector<4096x128xi1>
    %eq3A_72 = vector.broadcast %eq3A_71 : vector<4096x128xi1> to vector<4096x128xi1>
    %eq3A_73 = arith.xori %eq3A_72, %ge3A_3 : vector<4096x128xi1>
    %eq3A_74 = arith.constant dense<true> : vector<4096x128xi1>
    %eq3A_75 = arith.xori %eq3A_73, %eq3A_74 : vector<4096x128xi1>
    %get3A_76 = arith.constant 0 : index
    %get3A_77 = arith.constant 0 : index
    %get3A_78 = arith.constant 0 : index
    %get3A_79 = vector.load %arg3[%get3A_76, %get3A_77, %get3A_78] : memref<1x4096x128xf32, #tpu.memory_space<vmem>>, vector<1x4096x128xf32>
    %get3A_80 = vector.shape_cast %get3A_79 : vector<1x4096x128xf32> to vector<4096x128xf32>
    %jit3A_81 = arith.constant 0.000000e+00 : f32
    %broadcast_in_dim3A_82 = vector.broadcast %jit3A_81 : f32 to vector<4096x128xf32>
    %select_n3A_83 = arith.select %eq3A_75, %get3A_80, %broadcast_in_dim3A_82 : vector<4096x128xi1>, vector<4096x128xf32>
    %get3A_84 = arith.constant 0 : index
    %get3A_85 = arith.constant 0 : index
    %get3A_86 = vector.load %arg18[%get3A_84, %get3A_85] : memref<4096x128xf32, #tpu.memory_space<vmem>>, vector<4096x128xf32>
    %concatenate3A_87 = tpu.concatenate %select_n3A_83, %get3A_86 in 1 : vector<4096x128xf32>, vector<4096x128xf32> -> vector<4096x256xf32>
    %get3A_88 = arith.constant 0 : index
    %get3A_89 = arith.constant 0 : index
    %get3A_90 = vector.load %arg8[%get3A_88, %get3A_89] : memref<256x512xf32, #tpu.memory_space<vmem>>, vector<256x512xf32>
    %dot_general3A_91 = arith.constant dense<0.000000e+00> : vector<4096x512xf32>
    %dot_general3A_92 = tpu.matmul %concatenate3A_87, %get3A_90, %dot_general3A_91 {dimension_numbers = #tpu.dot_dimension_numbers<[1], [0], [0], [1], [0, 0, 1, 1], [], []>, transpose_lhs_hint = false} : vector<4096x256xf32>, vector<256x512xf32>, vector<4096x512xf32> -> vector<4096x512xf32>
    %get3A_93 = arith.constant 0 : index
    %get3A_94 = arith.constant 0 : index
    %get3A_95 = vector.load %arg10[%get3A_93, %get3A_94] : memref<8x512xf32, #tpu.memory_space<vmem>>, vector<1x512xf32>
    %add3A_96 = vector.broadcast %get3A_95 : vector<1x512xf32> to vector<4096x512xf32>
    %add3A_97 = arith.addf %dot_general3A_92, %add3A_96 : vector<4096x512xf32>
    %slice3A_98 = vector.extract_strided_slice %add3A_97 {offsets = [0, 0], sizes = [4096, 128], strides = [1, 1]} : vector<4096x512xf32> to vector<4096x128xf32>
    %logistic3A_99 = arith.negf %slice3A_98 : vector<4096x128xf32>
    %logistic3A_100 = math.exp %logistic3A_99 : vector<4096x128xf32>
    %logistic3A_101 = arith.constant 1.000000e+00 : f32
    %logistic3A_102 = vector.broadcast %logistic3A_101 : f32 to vector<4096x128xf32>
    %logistic3A_103 = arith.addf %logistic3A_102, %logistic3A_100 : vector<4096x128xf32>
    %logistic3A_104 = arith.divf %logistic3A_102, %logistic3A_103 : vector<4096x128xf32>
    %slice3A_105 = vector.extract_strided_slice %add3A_97 {offsets = [0, 128], sizes = [4096, 128], strides = [1, 1]} : vector<4096x512xf32> to vector<4096x128xf32>
    %logistic3A_106 = arith.negf %slice3A_105 : vector<4096x128xf32>
    %logistic3A_107 = math.exp %logistic3A_106 : vector<4096x128xf32>
    %logistic3A_108 = arith.constant 1.000000e+00 : f32
    %logistic3A_109 = vector.broadcast %logistic3A_108 : f32 to vector<4096x128xf32>
    %logistic3A_110 = arith.addf %logistic3A_109, %logistic3A_107 : vector<4096x128xf32>
    %logistic3A_111 = arith.divf %logistic3A_109, %logistic3A_110 : vector<4096x128xf32>
    %slice3A_112 = vector.extract_strided_slice %add3A_97 {offsets = [0, 256], sizes = [4096, 128], strides = [1, 1]} : vector<4096x512xf32> to vector<4096x128xf32>
    %tanh3A_113 = math.tanh %slice3A_112 : vector<4096x128xf32>
    %slice3A_114 = vector.extract_strided_slice %add3A_97 {offsets = [0, 384], sizes = [4096, 128], strides = [1, 1]} : vector<4096x512xf32> to vector<4096x128xf32>
    %logistic3A_115 = arith.negf %slice3A_114 : vector<4096x128xf32>
    %logistic3A_116 = math.exp %logistic3A_115 : vector<4096x128xf32>
    %logistic3A_117 = arith.constant 1.000000e+00 : f32
    %logistic3A_118 = vector.broadcast %logistic3A_117 : f32 to vector<4096x128xf32>
    %logistic3A_119 = arith.addf %logistic3A_118, %logistic3A_116 : vector<4096x128xf32>
    %logistic3A_120 = arith.divf %logistic3A_118, %logistic3A_119 : vector<4096x128xf32>
    %get3A_121 = arith.constant 0 : index
    %get3A_122 = arith.constant 0 : index
    %get3A_123 = vector.load %arg19[%get3A_121, %get3A_122] : memref<4096x128xf32, #tpu.memory_space<vmem>>, vector<4096x128xf32>
    %mul3A_124 = arith.mulf %logistic3A_111, %get3A_123 : vector<4096x128xf32>
    %mul3A_125 = arith.mulf %logistic3A_104, %tanh3A_113 : vector<4096x128xf32>
    %add3A_126 = arith.addf %mul3A_124, %mul3A_125 : vector<4096x128xf32>
    %tanh3A_127 = math.tanh %add3A_126 : vector<4096x128xf32>
    %mul3A_128 = arith.mulf %logistic3A_120, %tanh3A_127 : vector<4096x128xf32>
    %swap3A_129 = arith.constant 0 : index
    %swap3A_130 = arith.constant 0 : index
    %swap3A_131 = vector.load %arg18[%swap3A_129, %swap3A_130] : memref<4096x128xf32, #tpu.memory_space<vmem>>, vector<4096x128xf32>
    tpu.vector_store %arg18[%swap3A_129, %swap3A_130], %mul3A_128 {strides = array<i32>} : memref<4096x128xf32, #tpu.memory_space<vmem>>, vector<4096x128xf32>,
    %swap3A_132 = arith.constant 0 : index
    %swap3A_133 = arith.constant 0 : index
    %swap3A_134 = vector.load %arg19[%swap3A_132, %swap3A_133] : memref<4096x128xf32, #tpu.memory_space<vmem>>, vector<4096x128xf32>
    tpu.vector_store %arg19[%swap3A_132, %swap3A_133], %add3A_126 {strides = array<i32>} : memref<4096x128xf32, #tpu.memory_space<vmem>>, vector<4096x128xf32>,
    %get3A_135 = arith.constant 0 : index
    %get3A_136 = arith.constant 0 : index
    %get3A_137 = vector.load %arg6[%get3A_135, %get3A_136] : memref<4096x128xi32, #tpu.memory_space<vmem>>, vector<4096x128xi32>
    %eq3A_138 = vector.broadcast %arg1 : i32 to vector<4096x128xi32>
    %eq3A_139 = arith.cmpi eq, %get3A_137, %eq3A_138 : vector<4096x128xi32>
    %get3A_140 = arith.constant 0 : index
    %get3A_141 = arith.constant 0 : index
    %get3A_142 = vector.load %arg20[%get3A_140, %get3A_141] : memref<4096x128xf32, #tpu.memory_space<vmem>>, vector<4096x128xf32>
    %select_n3A_143 = arith.select %eq3A_139, %mul3A_57, %get3A_142 : vector<4096x128xi1>, vector<4096x128xf32>
    %swap3A_144 = arith.constant 0 : index
    %swap3A_145 = arith.constant 0 : index
    %swap3A_146 = vector.load %arg20[%swap3A_144, %swap3A_145] : memref<4096x128xf32, #tpu.memory_space<vmem>>, vector<4096x128xf32>
    tpu.vector_store %arg20[%swap3A_144, %swap3A_145], %select_n3A_143 {strides = array<i32>} : memref<4096x128xf32, #tpu.memory_space<vmem>>, vector<4096x128xf32>,
    %sub3A = arith.constant 49 : i32
    %sub3A_147 = arith.subi %sub3A, %arg1 : i32
    %eq3A_148 = vector.broadcast %sub3A_147 : i32 to vector<4096x128xi32>
    %eq3A_149 = arith.cmpi eq, %get3A_137, %eq3A_148 : vector<4096x128xi32>
    %get3A_150 = arith.constant 0 : index
    %get3A_151 = arith.constant 0 : index
    %get3A_152 = vector.load %arg21[%get3A_150, %get3A_151] : memref<4096x128xf32, #tpu.memory_space<vmem>>, vector<4096x128xf32>
    %select_n3A_153 = arith.select %eq3A_149, %mul3A_128, %get3A_152 : vector<4096x128xi1>, vector<4096x128xf32>
    %swap3A_154 = arith.constant 0 : index
    %swap3A_155 = arith.constant 0 : index
    %swap3A_156 = vector.load %arg21[%swap3A_154, %swap3A_155] : memref<4096x128xf32, #tpu.memory_space<vmem>>, vector<4096x128xf32>
    tpu.vector_store %arg21[%swap3A_154, %swap3A_155], %select_n3A_153 {strides = array<i32>} : memref<4096x128xf32, #tpu.memory_space<vmem>>, vector<4096x128xf32>,
    %eq3A_157 = arith.constant 49 : i32
    %eq3A_158 = arith.cmpi eq, %arg1, %eq3A_157 : i32
    %convert_element_type3A_159 = arith.extui %eq3A_158 : i1 to i32
    %cond3A_160 = arith.constant 0 : i32
    %cond3A_161 = arith.cmpi ne, %convert_element_type3A_159, %cond3A_160 : i32
    scf.if %cond3A_161 {
      %get3A_162 = arith.constant 0 : index
      %get3A_163 = arith.constant 0 : index
      %get3A_164 = vector.load %arg20[%get3A_162, %get3A_163] : memref<4096x128xf32, #tpu.memory_space<vmem>>, vector<4096x128xf32>
      %get3A_165 = arith.constant 0 : index
      %get3A_166 = arith.constant 0 : index
      %get3A_167 = vector.load %arg21[%get3A_165, %get3A_166] : memref<4096x128xf32, #tpu.memory_space<vmem>>, vector<4096x128xf32>
      %concatenate3A_168 = tpu.concatenate %get3A_164, %get3A_167 in 1 : vector<4096x128xf32>, vector<4096x128xf32> -> vector<4096x256xf32>
      %get3A_169 = arith.constant 0 : index
      %get3A_170 = arith.constant 0 : index
      %get3A_171 = vector.load %arg11[%get3A_169, %get3A_170] : memref<256x256xf32, #tpu.memory_space<vmem>>, vector<256x256xf32>
      %dot_general3A_172 = arith.constant dense<0.000000e+00> : vector<4096x256xf32>
      %dot_general3A_173 = tpu.matmul %concatenate3A_168, %get3A_171, %dot_general3A_172 {dimension_numbers = #tpu.dot_dimension_numbers<[1], [0], [0], [1], [0, 0, 1, 1], [], []>, transpose_lhs_hint = false} : vector<4096x256xf32>, vector<256x256xf32>, vector<4096x256xf32> -> vector<4096x256xf32>
      %get3A_174 = arith.constant 0 : index
      %get3A_175 = arith.constant 0 : index
      %get3A_176 = vector.load %arg12[%get3A_174, %get3A_175] : memref<8x256xf32, #tpu.memory_space<vmem>>, vector<1x256xf32>
      %add3A_177 = vector.broadcast %get3A_176 : vector<1x256xf32> to vector<4096x256xf32>
      %add3A_178 = arith.addf %dot_general3A_173, %add3A_177 : vector<4096x256xf32>
      %get3A_179 = arith.constant 0 : index
      %get3A_180 = arith.constant 0 : index
      %get3A_181 = vector.load %arg13[%get3A_179, %get3A_180] : memref<256x128xf32, #tpu.memory_space<vmem>>, vector<256x128xf32>
      %dot_general3A_182 = arith.constant dense<0.000000e+00> : vector<4096x128xf32>
      %dot_general3A_183 = tpu.matmul %add3A_178, %get3A_181, %dot_general3A_182 {dimension_numbers = #tpu.dot_dimension_numbers<[1], [0], [0], [1], [0, 0, 1, 1], [], []>, transpose_lhs_hint = false} : vector<4096x256xf32>, vector<256x128xf32>, vector<4096x128xf32> -> vector<4096x128xf32>
      %get3A_184 = arith.constant 0 : index
      %get3A_185 = arith.constant 0 : index
      %get3A_186 = vector.load %arg14[%get3A_184, %get3A_185] : memref<8x128xf32, #tpu.memory_space<vmem>>, vector<1x128xf32>
      %add3A_187 = vector.broadcast %get3A_186 : vector<1x128xf32> to vector<4096x128xf32>
      %add3A_188 = arith.addf %dot_general3A_183, %add3A_187 : vector<4096x128xf32>
      %swap3A_189 = arith.constant 0 : index
      %swap3A_190 = arith.constant 0 : index
      %swap3A_191 = vector.load %arg15[%swap3A_189, %swap3A_190] : memref<4096x128xf32, #tpu.memory_space<vmem>>, vector<4096x128xf32>
      tpu.vector_store %arg15[%swap3A_189, %swap3A_190], %add3A_188 {strides = array<i32>} : memref<4096x128xf32, #tpu.memory_space<vmem>>, vector<4096x128xf32>,
    } else {
    }
    return
  }
  func.func @transform_0(%arg0: i32, %arg1: i32) -> (i32, i32, i32) {
    %c0_i32 = arith.constant 0 : i32
    %c0_i32_0 = arith.constant 0 : i32
    return %arg1, %arg0, %c0_i32 : i32, i32, i32
  }
  func.func @transform_1(%arg0: i32, %arg1: i32) -> (i32, i32, i32) {
    %sub3A = arith.constant 49 : i32
    %sub3A_0 = arith.subi %sub3A, %arg1 : i32
    %c0_i32 = arith.constant 0 : i32
    %c0_i32_1 = arith.constant 0 : i32
    return %sub3A_0, %arg0, %c0_i32 : i32, i32, i32
  }
  func.func @transform_2(%arg0: i32, %arg1: i32) -> (i32, i32, i32) {
    %c0_i32 = arith.constant 0 : i32
    %c0_i32_0 = arith.constant 0 : i32
    return %arg1, %arg0, %c0_i32 : i32, i32, i32
  }
  func.func @transform_3(%arg0: i32, %arg1: i32) -> (i32, i32, i32) {
    %sub3A = arith.constant 49 : i32
    %sub3A_0 = arith.subi %sub3A, %arg1 : i32
    %c0_i32 = arith.constant 0 : i32
    %c0_i32_1 = arith.constant 0 : i32
    return %sub3A_0, %arg0, %c0_i32 : i32, i32, i32
  }
  func.func @transform_4(%arg0: i32, %arg1: i32) -> (i32, i32) {
    %c0_i32 = arith.constant 0 : i32
    %c0_i32_0 = arith.constant 0 : i32
    return %arg0, %c0_i32 : i32, i32
  }
  func.func @transform_5(%arg0: i32, %arg1: i32) -> (i32, i32) {
    %c0_i32 = arith.constant 0 : i32
    %c0_i32_0 = arith.constant 0 : i32
    %c0_i32_1 = arith.constant 0 : i32
    return %c0_i32, %c0_i32_0 : i32, i32
  }
  func.func @transform_6(%arg0: i32, %arg1: i32) -> (i32, i32) {
    %c0_i32 = arith.constant 0 : i32
    %c0_i32_0 = arith.constant 0 : i32
    %c0_i32_1 = arith.constant 0 : i32
    return %c0_i32, %c0_i32_0 : i32, i32
  }
  func.func @transform_7(%arg0: i32, %arg1: i32) -> (i32, i32) {
    %c0_i32 = arith.constant 0 : i32
    %c0_i32_0 = arith.constant 0 : i32
    %c0_i32_1 = arith.constant 0 : i32
    return %c0_i32, %c0_i32_0 : i32, i32
  }
  func.func @transform_8(%arg0: i32, %arg1: i32) -> (i32, i32) {
    %c0_i32 = arith.constant 0 : i32
    %c0_i32_0 = arith.constant 0 : i32
    %c0_i32_1 = arith.constant 0 : i32
    return %c0_i32, %c0_i32_0 : i32, i32
  }
  func.func @transform_9(%arg0: i32, %arg1: i32) -> (i32, i32) {
    %c0_i32 = arith.constant 0 : i32
    %c0_i32_0 = arith.constant 0 : i32
    %c0_i32_1 = arith.constant 0 : i32
    return %c0_i32, %c0_i32_0 : i32, i32
  }
  func.func @transform_10(%arg0: i32, %arg1: i32) -> (i32, i32) {
    %c0_i32 = arith.constant 0 : i32
    %c0_i32_0 = arith.constant 0 : i32
    %c0_i32_1 = arith.constant 0 : i32
    return %c0_i32, %c0_i32_0 : i32, i32
  }
  func.func @transform_11(%arg0: i32, %arg1: i32) -> (i32, i32) {
    %c0_i32 = arith.constant 0 : i32
    %c0_i32_0 = arith.constant 0 : i32
    %c0_i32_1 = arith.constant 0 : i32
    return %c0_i32, %c0_i32_0 : i32, i32
  }
  func.func @transform_12(%arg0: i32, %arg1: i32) -> (i32, i32) {
    %c0_i32 = arith.constant 0 : i32
    %c0_i32_0 = arith.constant 0 : i32
    %c0_i32_1 = arith.constant 0 : i32
    return %c0_i32, %c0_i32_0 : i32, i32
  }
  func.func @transform_13(%arg0: i32, %arg1: i32) -> (i32, i32) {
    %c0_i32 = arith.constant 0 : i32
    %c0_i32_0 = arith.constant 0 : i32
    return %arg0, %c0_i32 : i32, i32
  }
}

</mosaic_0001>

<sc_bundles>
// kernel: kernel.4.cloned.1.call-start
scs
__scs_entry_jumppad:
0x0: {  	(pc) =	sbr.rel $0x88, $3  }
0x1: {  	(tag) =	ssettag $0x0;
	lr =	simm.s32 $0x1  }
0x2: {  	[smem:$0x3F92] =	sst lr;
	_ =	strace $0xD0000000  }
0x3: {  	_ = 	snop  }
0x4: {  	_ = 	snop  }
0x5: {  	_ = 	snop  }
0x6: {  	_ = 	snop  }
0x7: {  	_ = 	snop  }
__scs_overlays_trampoline_lowered:
0x8: {  	[smem:$0x3FA1] =	sst s0  }
0x9: {  	[smem:$0x3FA2] =	sst s1  }
0xa: {  	[smem:$0x3FA3] =	sst s2  }
0xb: {  	[smem:$0x3FA4] =	sst s3  }
0xc: {  	[smem:$0x3FA5] =	sst s4  }
0xd: {  	[smem:$0x3FA6] =	sst s5  }
0xe: {  	[smem:$0x3FA7] =	sst s6  }
0xf: {  	[smem:$0x3FA8] =	sst s7  }
0x10: {  	[smem:$0x3FA9] =	sst s8  }
0x11: {  	[smem:$0x3FAA] =	sst s9;
	s0 =	simm.s32 @!p0 $0x0  }
0x12: {  	s1 =	sld [smem:$0x3F90];
	s0 =	simm.s32 @p0 $0x1  }
0x13: {  	[smem:$0x3FAB] =	sst s0;
	s0 =	simm.s32 @!p1 $0x0  }
0x14: {  	s2 =	sld [smem:$0x3F8F];
	s0 =	simm.s32 @p1 $0x1  }
0x15: {  	[smem:$0x3FAC] =	sst s0;
	s0 =	simm.s32 @!p2 $0x0  }
0x16: {  	s3 =	sld [smem:$0x3FDB];
	s0 =	simm.s32 @p2 $0x1  }
0x17: {  	s4 =	simm.s32 $0x1BF5;
	[smem:$0x3FAE] =	sst s0  }
0x18: {  	s0 =	sld [smem:$0x3F91];
	_ =	swait.ge [sflag:s4], $0x0  }
0x19: {  	s7 =	sld [smem:$0x3F92]  }
0x1a: {  	s8 =	sadd.s32 $0xFFFFE003, lr  }
0x1b: {  	s9 =	sadd.s32 $0xFFFFFEF7, lr;
	s5 =	simm.s32 $0xFFFFFFFF;
	p2 =	slt.u32 s8, $0xFFFFF086  }
0x1c: {  	p1 =	slt.u32 s9, $0xF7A;
	s5 =	simm.s32 @!p2 $0x0  }
0x1d: {  	s5 =	simm.s32 @p1 $0x1;
	p0 =	seq.s32 s7, s2  }
0x1e: {  	s7 =	smul.u32 @!p0 $0xF7A, s2;
	p2 =	seq.s32 @!p0 s5, $0x0  }
0x1f: {  	s9 =	smul.u32 $0xF7A, s1;
	s8 =	simm.s32 @!p0 $0x1BF5;
	p2 =	por !p2, p0  }
0x20: {  	[sflag:s8] =	ssyncset.s32 @!p0 $0xFFFFF086;
	s6 =	sadd.s32 @!p0 s3, s7;
	s7 =	simm.s32 @!p0 $0x108  }
0x21: {  	s3 =	sadd.s32 s3, s9;
	s6 =	sadd.s32 @!p0 $0x88, s6;
	s7 =	simm.s32 @p2 $0x1082  }
0x22: {  	[simem:s7], [sflag:s8] =	dma.local @!p0 [hbm:s6], $0xF7A  }
0x23: {  	s9 =	sor.u32 $0xD0000000, s2;
	s6 =	simm.s32 $0x108;
	_ =	swait.ge @!p0 [sflag:s8], $0x0  }
0x24: {  	s3 =	sadd.s32 $0x88, s3;
	s6 =	simm.s32 @!p1 $0x1082;
	[sflag:s4] =	ssyncset.s32 $0xFFFFF086  }
0x25: {  	[simem:s6], [sflag:s4] =	dma.local [hbm:s3], $0xF7A  }
0x26: {  	[smem:$0x3F92] =	sst s1;
	(tag) =	ssettag s2;
	_ =	strace s9  }
0x27: {  	s1 =	sld [smem:$0x3FA2]  }
0x28: {  	s2 =	sld [smem:$0x3FA3]  }
0x29: {  	s4 =	sld [smem:$0x3FA5]  }
0x2a: {  	p0 =	seq.s32 s5, $0x0;
	s5 =	sld [smem:$0x3FA6]  }
0x2b: {  	s6 =	sld [smem:$0x3FA7]  }
0x2c: {  	s7 =	sld [smem:$0x3FA8]  }
0x2d: {  	s3 =	simm.s32 $0x108;
	s8 =	sld [smem:$0x3FA9]  }
0x2e: {  	s3 =	simm.s32 @!p0 $0x1082;
	s9 =	sld [smem:$0x3FAA]  }
0x2f: {  	lr =	sadd.s32 s0, s3;
	s0 =	sld [smem:$0x3FA1]  }
0x30: {  	s3 =	sld [smem:$0x3FA4]  }
0x31: {  	[smem:$0x3FAD] =	sst s10  }
0x32: {  	s10 =	sld [smem:$0x3FAB];
	_ =	sdelay $0x3  }
0x33: {  	p0 =	seq.s32 s10, $0x1;
	s10 =	sld [smem:$0x3FAD];
	_ =	sdelay $0x3  }
0x34: {  	[smem:$0x3FAD] =	sst s10  }
0x35: {  	s10 =	sld [smem:$0x3FAC];
	_ =	sdelay $0x3  }
0x36: {  	p1 =	seq.s32 s10, $0x1;
	s10 =	sld [smem:$0x3FAD];
	_ =	sdelay $0x3  }
0x37: {  	[smem:$0x3FAD] =	sst s10  }
0x38: {  	s10 =	sld [smem:$0x3FAE]  }
0x39: {  	_ = 	snop;
	(pc) =	sbr.ind lr, $3  }
0x3a: {  	_ = 	snop  }
0x3b: {  	_ = 	snop  }
0x3c: {  	p2 =	seq.s32 s10, $0x1;
	s10 =	sld [smem:$0x3FAD]  }
0x3d: {  	_ =	shalt  }
0x3e: {  	_ =	shalt  }
0x3f: {  	_ =	shalt  }
0x40: {  	_ =	shalt  }
0x41: {  	_ =	shalt  }
0x42: {  	_ =	shalt  }
0x43: {  	_ =	shalt  }
0x44: {  	_ =	shalt  }
0x45: {  	_ =	shalt  }
0x46: {  	_ =	shalt  }
0x47: {  	_ =	shalt  }
0x48: {  	_ =	shalt  }
0x49: {  	_ =	shalt  }
0x4a: {  	_ =	shalt  }
0x4b: {  	_ =	shalt  }
0x4c: {  	_ =	shalt  }
0x4d: {  	_ =	shalt  }
0x4e: {  	_ =	shalt  }
0x4f: {  	_ =	shalt  }
0x50: {  	_ =	shalt  }
0x51: {  	_ =	shalt  }
0x52: {  	_ =	shalt  }
0x53: {  	_ =	shalt  }
0x54: {  	_ =	shalt  }
0x55: {  	_ =	shalt  }
0x56: {  	_ =	shalt  }
0x57: {  	_ =	shalt  }
0x58: {  	_ =	shalt  }
0x59: {  	_ =	shalt  }
0x5a: {  	_ =	shalt  }
0x5b: {  	_ =	shalt  }
0x5c: {  	_ =	shalt  }
0x5d: {  	_ =	shalt  }
0x5e: {  	_ =	shalt  }
0x5f: {  	_ =	shalt  }
0x60: {  	_ =	shalt  }
0x61: {  	_ =	shalt  }
0x62: {  	_ =	shalt  }
0x63: {  	_ =	shalt  }
0x64: {  	_ =	shalt  }
0x65: {  	_ =	shalt  }
0x66: {  	_ =	shalt  }
0x67: {  	_ =	shalt  }
0x68: {  	_ =	shalt  }
0x69: {  	_ =	shalt  }
0x6a: {  	_ =	shalt  }
0x6b: {  	_ =	shalt  }
0x6c: {  	_ =	shalt  }
0x6d: {  	_ =	shalt  }
0x6e: {  	_ =	shalt  }
0x6f: {  	_ =	shalt  }
0x70: {  	_ =	shalt  }
0x71: {  	_ =	shalt  }
0x72: {  	_ =	shalt  }
0x73: {  	_ =	shalt  }
0x74: {  	_ =	shalt  }
0x75: {  	_ =	shalt  }
0x76: {  	_ =	shalt  }
0x77: {  	_ =	shalt  }
0x78: {  	_ =	shalt  }
0x79: {  	_ =	shalt  }
0x7a: {  	_ =	shalt  }
0x7b: {  	_ =	shalt  }
0x7c: {  	_ =	shalt  }
0x7d: {  	_ =	shalt  }
0x7e: {  	_ =	shalt  }
0x7f: {  	_ =	shalt  }
0x80: {  	_ =	shalt  }
0x81: {  	_ =	shalt  }
0x82: {  	_ =	shalt  }
0x83: {  	_ =	shalt  }
0x84: {  	_ =	shalt  }
0x85: {  	_ =	shalt  }
0x86: {  	_ =	shalt  }
0x87: {  	_ =	shalt  }
.Lfunc_end0:
.L_simem_size_0:
called_computation_lowered:
.L_overlay_start_0:
0x88: {  	s2 =	sld [smem:$0x3FD9]  }
0x89: {  	s3 =	sld [smem:$0x3FFE];
	_ =	sdelay $0x1  }
0x8a: {  	s1 =	srdreg.scid  }
0x8b: {  	s0 =	sand.u32 $0x1, s1  }
0x8c: {  	s16 =	sshll.u32 s0, $0xA;
	s2 =	sadd.s32 s3, s2  }
0x8d: {  	s2 =	sadd.s32 s2, s16  }
0x8e: {  	[smem:$0x3FB9] =	sst s2  }
0x8f: {  	_ = 	snop  }
0x90: {  	(tm) =	ssettm $0x1  }
0x91: {  	s17 =	sld [smem:$0x3FFB];
	_ =	sdelay $0x3  }
0x92: {  	_ =	strace s17  }
0x93: {  	s2 =	sld [smem:$0x3FFC];
	_ =	sdelay $0x3  }
0x94: {  	_ =	strace s2  }
0x95: {  	s2 =	sld [smem:$0x3FFD];
	_ =	sdelay $0x3  }
0x96: {  	_ =	strace s2  }
0x97: {  	_ =	strace $0x8FFFFFFF  }
0x98: {  	s18 =	sld [smem:$0x3FDB];
	_ =	sdelay $0x1  }
0x99: {  	s19 =	simm.s32 $_scs_section_size  }
0x9a: {  	s4 =	simm.s32 $_size__tile_overlayer_lowered;
	s5 =	simm.s32 $_tile_overlayer_lowered  }
0x9b: {  	s22 =	simm.s32 $0x1BFF;
	s21 =	sshll.u32 s5, $0x1;
	s2 =	sadd.s32 s19, s18  }
0x9c: {  	s6 =	simm.s32 $0x0;
	s20 =	sshll.u32 s4, $0x1;
	s4 =	sadd.s32 s21, s2  }
0x9d: {  	[timem:s6], [sflag:s22] =	dma.local [hbm:s4], s20  }
0x9e: {  	_ =	swait.ge [sflag:s22], s20  }
0x9f: {  	s3 =	ssub.s32 $0x0, s20;
	[sflag:s22] =	ssyncset.done $0x0  }
0xa0: {  	[sflag:s22] =	ssyncadd.s32 s3;
	_ =	sdelay $0x1  }
0xa1: {  	s23 =	simm.s32 $0x1B8B  }
0xa2: {  	_ =	swait.ge [sflag:s23], $0x1  }
0xa3: {  	[sflag:s23] =	ssyncset.done $0x0  }
0xa4: {  	s25 =	simm.s32 $0x1B8E;
	s24 =	sld [smem:$0x3FFE];
	[sflag:s23] =	ssyncadd.s32 $0xFFFFFFFF  }
0xa5: {  	s26 =	simm.s32 $execute0_lowered;
	[smem:$0x3FD2] =	sst s25  }
0xa6: {  	s4 =	sshll.u32 s26, $0x1;
	_ =	strace $0x80000046;
	[dreg:$0x1] =	wrdreg $0xFFFFFFFF  }
0xa7: {  	s28 =	simm.s32 $_size_execute0_lowered;
	s2 =	sadd.s32 s2, s4;
	[dreg:$0x0] =	wrdreg $0x0  }
0xa8: {  	s4 =	sshll.u32 s28, $0x1;
	[dreg:$0x2] =	wrdreg s2  }
0xa9: {  	[dreg:$0x3] =	wrdreg s4  }
0xaa: {  	[dreg:$0x4] =	wrdreg $0xC0  }
0xab: {  	_ =	task [dreg:s6], $0x5FFFF  }
0xac: {  	[dreg:$0x1] =	wrdreg $0xFFFFFFFF  }
0xad: {  	[dreg:$0x0] =	wrdreg $0x60  }
0xae: {  	[dreg:$0x2] =	wrdreg s24  }
0xaf: {  	[dreg:$0x3] =	wrdreg $0x9  }
0xb0: {  	_ =	task.clear_ibuf [dreg:s6], $0x4FFFF;
	_ =	strace $0x90000046  }
0xb1: {  	s29 =	simm.s32 $0x9;
	_ =	strace $0x80000048  }
0xb2: {  	_ =	swait.ge [sflag:s29], $0x1  }
0xb3: {  	[sflag:s29] =	ssyncadd.s32 $0xFFFFFFFF  }
0xb4: {  	_ =	strace $0x90000048  }
0xb5: {  	_ =	sfence  }
0xb6: {  	s30 =	sld [smem:$0x0];
	_ =	sdelay $0x2  }
0xb7: {  	s31 =	sshll.u32 s1, $0xD;
	s1 =	sshrl.u32 s1, $0x2  }
0xb8: {  	s3 =	sand.u32 $0x4000, s31;
	s1 =	sadd.s32 s1, s30  }
0xb9: {  	s0 =	sor.u32 s3, s0;
	s1 =	sshll.u32 s1, $0x11  }
0xba: {  	s0 =	sor.u32 s1, s0  }
0xbb: {  	s0 =	sadd.s32 $0x8F2B, s0  }
0xbc: {  	[sflag:s0] =	ssyncadd.remote.s32 $0x1  }
0xbd: {  	_ =	sfence.sel $0xFFFF  }
0xbe: {  	[dreg:$0x0] =	wrdreg $0xFFFFFFFF;
	(pc) =	sbr.abs _section_cstart, $3  }
0xbf: {  	[dreg:$0x1] =	wrdreg $0xFFFFFFFF  }
0xc0: {  	_ =	task.clear_ibuf [dreg:s6], $0x2FFFF;
	_ =	strace $0x9FFFFFFF  }
0xc1: {  	(tm) =	ssettm $0x7FFFFFFF  }
tec
execute0_lowered:
.L_overlay_start_1:
0x0: {  	(tag) =	ssettag $0x1  }
0x1: {  	s0 =	srdreg.scid  }
0x2: {  	s1 =	stileid.u32;
	s3 =	rddreg [dreg:$0x0];
	s2 =	simm.s32 $0x0  }
0x3: {  	s31 =	simm.s32 $0x3;
	s9 =	simm.s32 $0x190;
	s10 =	simm.s32 $0x1900  }
0x4: {  	s7 =	simm.s32 $0x1;
	s8 =	simm.s32 $0xE100;
	s30 =	simm.s32 $0x320  }
0x5: {  	s29 =	simm.s32 $0x4B0;
	s0 =	sand.u32 $0x1, s0;
	s1 =	sshll.u32 s1, $0x1  }
0x6: {  	s28 =	simm.s32 $0x640;
	p0 =	por $0x0, $0x0;
	s1 =	sor.u32 s0, s1  }
0x7: {  	s14 =	simm.s32 $0x1770;
	[smem:$0x7FF] =	sst s2;
	s4 =	smul.u32 $0x320, s1  }
0x8: {  	s6 =	sadd.s32 $0x8600, s3;
	s0 =	ssub.s32 $0x2, s0;
	s5 =	smul.u32 $0xC8000, s1  }
0x9: {  	_ =	strace $0x80000047;
	s1 =	smul.u32 $0x19000, s1;
	s24 =	sshrl.u32 s0, $0x1  }
0xa: {  	s0 =	ssub.s32 s0, s24;
	s24 =	simm.s32 $0xAF0;
	s4 =	sadd.s32 s4, s3  }
0xb: {  	s5 =	sshrl.u32 s5, $0x3;
	s1 =	sadd.s32 s6, s1;
	s3 =	sadd.s32 $0xF44600, s3  }
0xc: {  	s0 =	smax.u32 s0, $0x1;
	s4 =	sadd.s32 $0x2200, s4;
	s16 =	sadd.s32 s6, s5  }
0xd: {  	[dreg:$0x3] =	wrdreg s1;
	s5 =	simm.s32 $0x2;
	p1 =	sne.s32 s0, $0x1  }
0xe: {  	s1 =	sadd.s32 $0xFFFFFFFF, s0;
	[dreg:$0x2] =	wrdreg s4;
	s18 =	sadd.s32 $0x1900, s16  }
0xf: {  	s19 =	sadd.s32 $0x3200, s16;
	s20 =	sadd.s32 $0x4B00, s16;
	[dreg:$0x4] =	wrdreg s18  }
0x10: {  	s21 =	sadd.s32 $0x6400, s16;
	s22 =	sadd.s32 $0x7D00, s16;
	[dreg:$0x5] =	wrdreg s19  }
0x11: {  	s23 =	sadd.s32 $0x9600, s16;
	s25 =	sadd.s32 $0xAF00, s16;
	[dreg:$0x6] =	wrdreg s20  }
0x12: {  	s26 =	sadd.s32 $0xC800, s16;
	s17 =	sadd.s32 $0xE100, s16;
	[dreg:$0x7] =	wrdreg s21  }
0x13: {  	s15 =	sadd.s32 $0xFA00, s16;
	s13 =	sadd.s32 $0x11300, s16;
	[dreg:$0x8] =	wrdreg s22  }
0x14: {  	s12 =	sadd.s32 $0x12C00, s16;
	s11 =	sadd.s32 $0x14500, s16;
	[dreg:$0x9] =	wrdreg s23  }
.Ltmp0:
0x15: {  	s6 =	sadd.s32 $0x15E00, s16;
	[dreg:$0xa] =	wrdreg s25;
	(pc) =	sbr.rel @!p1 .LBB2_3-.Ltmp0, $4  }
0x16: {  	s4 =	sadd.s32 $0x17700, s16;
	s16 =	simm.s32 $0x15E0;
	[dreg:$0xb] =	wrdreg s26  }
0x17: {  	s26 =	simm.s32 $0x7D0;
	s25 =	simm.s32 $0x960;
	s23 =	simm.s32 $0xC80  }
0x18: {  	s22 =	simm.s32 $0xE10;
	s21 =	simm.s32 $0xFA0;
	s20 =	simm.s32 $0x1130  }
0x19: {  	s19 =	simm.s32 $0x12C0;
	s18 =	simm.s32 $0x1450;
	s0 =	rddreg [dreg:$0x2]  }
0x1a: {  	[tilespmem:s2], [sflag:$0x3] =	stream.linear.gather [hbm4b:s0+s2], $0x1900, $0x38;
	[tilespmem:$0x1A900] =	vst v63  }
0x1b: {  	_ =	swait.ge [sflag:s31], $0x1900  }
0x1c: {  	[sflag:s31] =	ssyncset.done $0x0  }
0x1d: {  	[sflag:s31] =	ssyncadd.s32 $0xFFFFE700  }
0x1e: {  	[tilespmem:s10], [sflag:$0x1] =	stream.indirect.gather [hbm4b:s3+s9], $0x80, s2, s9, $0xb8;
	[tilespmem:$0x1A900] =	vst v63  }
0x1f: {  	_ =	swait.ge [sflag:s7], $0xC800  }
0x20: {  	[sflag:s7] =	ssyncset.done $0x0  }
0x21: {  	[sflag:s7] =	ssyncadd.s32 $0xFFFF3800  }
0x22: {  	[tilespmem:s8], [sflag:$0x1] =	stream.indirect.gather [hbm4b:s3+s9], $0x80, s9, s9, $0xb8;
	[tilespmem:$0x1A900] =	vst v63  }
0x23: {  	s0 =	rddreg [dreg:$0x3]  }
0x24: {  	[hbm4b:s0+s2] =	stream.linear.scatter [tilespmem:s10], [sflag:$0x2], $0xC800, $0x38;
	[tilespmem:$0x1A900] =	vst v63  }
0x25: {  	_ =	swait.ge [sflag:s7], $0xC800  }
0x26: {  	[sflag:s7] =	ssyncset.done $0x0  }
0x27: {  	[sflag:s7] =	ssyncadd.s32 $0xFFFF3800  }
0x28: {  	_ =	swait.ge [sflag:s5], $0xC800  }
0x29: {  	[sflag:s5] =	ssyncset.done $0x0  }
0x2a: {  	[sflag:s5] =	ssyncadd.s32 $0xFFFF3800  }
0x2b: {  	[tilespmem:s10], [sflag:$0x1] =	stream.indirect.gather [hbm4b:s3+s9], $0x80, s30, s9, $0xb8;
	[tilespmem:$0x1A900] =	vst v63  }
0x2c: {  	s0 =	rddreg [dreg:$0x4]  }
0x2d: {  	[hbm4b:s0+s2] =	stream.linear.scatter [tilespmem:s8], [sflag:$0x2], $0xC800, $0x38;
	[tilespmem:$0x1A900] =	vst v63  }
0x2e: {  	_ =	swait.ge [sflag:s7], $0xC800  }
0x2f: {  	[sflag:s7] =	ssyncset.done $0x0  }
0x30: {  	[sflag:s7] =	ssyncadd.s32 $0xFFFF3800  }
0x31: {  	_ =	swait.ge [sflag:s5], $0xC800  }
0x32: {  	[sflag:s5] =	ssyncset.done $0x0  }
0x33: {  	[sflag:s5] =	ssyncadd.s32 $0xFFFF3800  }
0x34: {  	[tilespmem:s8], [sflag:$0x1] =	stream.indirect.gather [hbm4b:s3+s9], $0x80, s29, s9, $0xb8;
	[tilespmem:$0x1A900] =	vst v63  }
0x35: {  	s0 =	rddreg [dreg:$0x5]  }
0x36: {  	[hbm4b:s0+s2] =	stream.linear.scatter [tilespmem:s10], [sflag:$0x2], $0xC800, $0x38;
	[tilespmem:$0x1A900] =	vst v63  }
0x37: {  	_ =	swait.ge [sflag:s7], $0xC800  }
0x38: {  	[sflag:s7] =	ssyncset.done $0x0  }
0x39: {  	[sflag:s7] =	ssyncadd.s32 $0xFFFF3800  }
0x3a: {  	_ =	swait.ge [sflag:s5], $0xC800  }
0x3b: {  	[sflag:s5] =	ssyncset.done $0x0  }
0x3c: {  	[sflag:s5] =	ssyncadd.s32 $0xFFFF3800  }
0x3d: {  	[tilespmem:s10], [sflag:$0x1] =	stream.indirect.gather [hbm4b:s3+s9], $0x80, s28, s9, $0xb8;
	[tilespmem:$0x1A900] =	vst v63  }
0x3e: {  	s0 =	rddreg [dreg:$0x6]  }
0x3f: {  	[hbm4b:s0+s2] =	stream.linear.scatter [tilespmem:s8], [sflag:$0x2], $0xC800, $0x38;
	[tilespmem:$0x1A900] =	vst v63  }
0x40: {  	_ =	swait.ge [sflag:s7], $0xC800  }
0x41: {  	[sflag:s7] =	ssyncset.done $0x0  }
0x42: {  	[sflag:s7] =	ssyncadd.s32 $0xFFFF3800  }
0x43: {  	_ =	swait.ge [sflag:s5], $0xC800  }
0x44: {  	[sflag:s5] =	ssyncset.done $0x0  }
0x45: {  	[sflag:s5] =	ssyncadd.s32 $0xFFFF3800  }
0x46: {  	[tilespmem:s8], [sflag:$0x1] =	stream.indirect.gather [hbm4b:s3+s9], $0x80, s26, s9, $0xb8;
	[tilespmem:$0x1A900] =	vst v63  }
0x47: {  	s0 =	rddreg [dreg:$0x7]  }
0x48: {  	[hbm4b:s0+s2] =	stream.linear.scatter [tilespmem:s10], [sflag:$0x2], $0xC800, $0x38;
	[tilespmem:$0x1A900] =	vst v63  }
0x49: {  	_ =	swait.ge [sflag:s7], $0xC800  }
0x4a: {  	[sflag:s7] =	ssyncset.done $0x0  }
0x4b: {  	[sflag:s7] =	ssyncadd.s32 $0xFFFF3800  }
0x4c: {  	_ =	swait.ge [sflag:s5], $0xC800  }
0x4d: {  	[sflag:s5] =	ssyncset.done $0x0  }
0x4e: {  	[sflag:s5] =	ssyncadd.s32 $0xFFFF3800  }
0x4f: {  	[tilespmem:s10], [sflag:$0x1] =	stream.indirect.gather [hbm4b:s3+s9], $0x80, s25, s9, $0xb8;
	[tilespmem:$0x1A900] =	vst v63  }
0x50: {  	s0 =	rddreg [dreg:$0x8]  }
0x51: {  	[hbm4b:s0+s2] =	stream.linear.scatter [tilespmem:s8], [sflag:$0x2], $0xC800, $0x38;
	[tilespmem:$0x1A900] =	vst v63  }
0x52: {  	_ =	swait.ge [sflag:s7], $0xC800  }
0x53: {  	[sflag:s7] =	ssyncset.done $0x0  }
0x54: {  	[sflag:s7] =	ssyncadd.s32 $0xFFFF3800  }
0x55: {  	_ =	swait.ge [sflag:s5], $0xC800  }
0x56: {  	[sflag:s5] =	ssyncset.done $0x0  }
0x57: {  	[sflag:s5] =	ssyncadd.s32 $0xFFFF3800  }
0x58: {  	[tilespmem:s8], [sflag:$0x1] =	stream.indirect.gather [hbm4b:s3+s9], $0x80, s24, s9, $0xb8;
	[tilespmem:$0x1A900] =	vst v63  }
0x59: {  	s0 =	rddreg [dreg:$0x9]  }
0x5a: {  	[hbm4b:s0+s2] =	stream.linear.scatter [tilespmem:s10], [sflag:$0x2], $0xC800, $0x38;
	[tilespmem:$0x1A900] =	vst v63  }
0x5b: {  	_ =	swait.ge [sflag:s7], $0xC800  }
0x5c: {  	[sflag:s7] =	ssyncset.done $0x0  }
0x5d: {  	[sflag:s7] =	ssyncadd.s32 $0xFFFF3800  }
0x5e: {  	_ =	swait.ge [sflag:s5], $0xC800  }
0x5f: {  	[sflag:s5] =	ssyncset.done $0x0  }
0x60: {  	[sflag:s5] =	ssyncadd.s32 $0xFFFF3800  }
0x61: {  	[tilespmem:s10], [sflag:$0x1] =	stream.indirect.gather [hbm4b:s3+s9], $0x80, s23, s9, $0xb8;
	[tilespmem:$0x1A900] =	vst v63  }
0x62: {  	s0 =	rddreg [dreg:$0xa]  }
0x63: {  	[hbm4b:s0+s2] =	stream.linear.scatter [tilespmem:s8], [sflag:$0x2], $0xC800, $0x38;
	[tilespmem:$0x1A900] =	vst v63  }
0x64: {  	_ =	swait.ge [sflag:s7], $0xC800  }
0x65: {  	[sflag:s7] =	ssyncset.done $0x0  }
0x66: {  	[sflag:s7] =	ssyncadd.s32 $0xFFFF3800  }
0x67: {  	_ =	swait.ge [sflag:s5], $0xC800  }
0x68: {  	[sflag:s5] =	ssyncset.done $0x0  }
0x69: {  	[sflag:s5] =	ssyncadd.s32 $0xFFFF3800  }
0x6a: {  	[tilespmem:s8], [sflag:$0x1] =	stream.indirect.gather [hbm4b:s3+s9], $0x80, s22, s9, $0xb8;
	[tilespmem:$0x1A900] =	vst v63  }
0x6b: {  	s0 =	rddreg [dreg:$0xb]  }
0x6c: {  	[hbm4b:s0+s2] =	stream.linear.scatter [tilespmem:s10], [sflag:$0x2], $0xC800, $0x38;
	[tilespmem:$0x1A900] =	vst v63  }
0x6d: {  	_ =	swait.ge [sflag:s7], $0xC800  }
0x6e: {  	[sflag:s7] =	ssyncset.done $0x0  }
0x6f: {  	[sflag:s7] =	ssyncadd.s32 $0xFFFF3800  }
0x70: {  	_ =	swait.ge [sflag:s5], $0xC800  }
0x71: {  	[sflag:s5] =	ssyncset.done $0x0  }
0x72: {  	[sflag:s5] =	ssyncadd.s32 $0xFFFF3800  }
0x73: {  	[tilespmem:s10], [sflag:$0x1] =	stream.indirect.gather [hbm4b:s3+s9], $0x80, s21, s9, $0xb8;
	[tilespmem:$0x1A900] =	vst v63  }
0x74: {  	_ = 	snop  }
0x75: {  	[hbm4b:s17+s2] =	stream.linear.scatter [tilespmem:s8], [sflag:$0x2], $0xC800, $0x38;
	[tilespmem:$0x1A900] =	vst v63  }
0x76: {  	_ =	swait.ge [sflag:s7], $0xC800  }
0x77: {  	[sflag:s7] =	ssyncset.done $0x0  }
0x78: {  	[sflag:s7] =	ssyncadd.s32 $0xFFFF3800  }
0x79: {  	_ =	swait.ge [sflag:s5], $0xC800  }
0x7a: {  	[sflag:s5] =	ssyncset.done $0x0  }
0x7b: {  	[sflag:s5] =	ssyncadd.s32 $0xFFFF3800  }
0x7c: {  	[tilespmem:s8], [sflag:$0x1] =	stream.indirect.gather [hbm4b:s3+s9], $0x80, s20, s9, $0xb8;
	[tilespmem:$0x1A900] =	vst v63  }
0x7d: {  	_ = 	snop  }
0x7e: {  	[hbm4b:s15+s2] =	stream.linear.scatter [tilespmem:s10], [sflag:$0x2], $0xC800, $0x38;
	[tilespmem:$0x1A900] =	vst v63  }
0x7f: {  	_ =	swait.ge [sflag:s7], $0xC800  }
0x80: {  	[sflag:s7] =	ssyncset.done $0x0  }
0x81: {  	[sflag:s7] =	ssyncadd.s32 $0xFFFF3800  }
0x82: {  	_ =	swait.ge [sflag:s5], $0xC800  }
0x83: {  	[sflag:s5] =	ssyncset.done $0x0  }
0x84: {  	[sflag:s5] =	ssyncadd.s32 $0xFFFF3800  }
0x85: {  	[tilespmem:s10], [sflag:$0x1] =	stream.indirect.gather [hbm4b:s3+s9], $0x80, s19, s9, $0xb8;
	[tilespmem:$0x1A900] =	vst v63  }
0x86: {  	_ = 	snop  }
0x87: {  	[hbm4b:s13+s2] =	stream.linear.scatter [tilespmem:s8], [sflag:$0x2], $0xC800, $0x38;
	[tilespmem:$0x1A900] =	vst v63  }
0x88: {  	_ =	swait.ge [sflag:s7], $0xC800  }
0x89: {  	[sflag:s7] =	ssyncset.done $0x0  }
0x8a: {  	[sflag:s7] =	ssyncadd.s32 $0xFFFF3800  }
0x8b: {  	_ =	swait.ge [sflag:s5], $0xC800  }
0x8c: {  	[sflag:s5] =	ssyncset.done $0x0  }
0x8d: {  	[sflag:s5] =	ssyncadd.s32 $0xFFFF3800  }
0x8e: {  	[tilespmem:s8], [sflag:$0x1] =	stream.indirect.gather [hbm4b:s3+s9], $0x80, s18, s9, $0xb8;
	[tilespmem:$0x1A900] =	vst v63  }
0x8f: {  	_ = 	snop  }
0x90: {  	[hbm4b:s12+s2] =	stream.linear.scatter [tilespmem:s10], [sflag:$0x2], $0xC800, $0x38;
	[tilespmem:$0x1A900] =	vst v63  }
0x91: {  	_ =	swait.ge [sflag:s7], $0xC800  }
0x92: {  	[sflag:s7] =	ssyncset.done $0x0  }
0x93: {  	[sflag:s7] =	ssyncadd.s32 $0xFFFF3800  }
0x94: {  	_ =	swait.ge [sflag:s5], $0xC800  }
0x95: {  	[sflag:s5] =	ssyncset.done $0x0  }
0x96: {  	[sflag:s5] =	ssyncadd.s32 $0xFFFF3800  }
0x97: {  	[tilespmem:s10], [sflag:$0x1] =	stream.indirect.gather [hbm4b:s3+s9], $0x80, s16, s9, $0xb8;
	[tilespmem:$0x1A900] =	vst v63  }
0x98: {  	_ = 	snop  }
0x99: {  	[hbm4b:s11+s2] =	stream.linear.scatter [tilespmem:s8], [sflag:$0x2], $0xC800, $0x38;
	[tilespmem:$0x1A900] =	vst v63  }
0x9a: {  	_ =	swait.ge [sflag:s7], $0xC800  }
0x9b: {  	[sflag:s7] =	ssyncset.done $0x0  }
0x9c: {  	[sflag:s7] =	ssyncadd.s32 $0xFFFF3800  }
0x9d: {  	_ =	swait.ge [sflag:s5], $0xC800  }
0x9e: {  	[sflag:s5] =	ssyncset.done $0x0  }
0x9f: {  	[sflag:s5] =	ssyncadd.s32 $0xFFFF3800  }
0xa0: {  	[tilespmem:s8], [sflag:$0x1] =	stream.indirect.gather [hbm4b:s3+s9], $0x80, s14, s9, $0xb8;
	[tilespmem:$0x1A900] =	vst v63  }
0xa1: {  	_ = 	snop  }
0xa2: {  	[hbm4b:s6+s2] =	stream.linear.scatter [tilespmem:s10], [sflag:$0x2], $0xC800, $0x38;
	[tilespmem:$0x1A900] =	vst v63  }
0xa3: {  	_ =	swait.ge [sflag:s7], $0xC800  }
0xa4: {  	[sflag:s7] =	ssyncset.done $0x0  }
0xa5: {  	p1 =	sne.s32 s1, $0x1;
	[sflag:s7] =	ssyncadd.s32 $0xFFFF3800  }
0xa6: {  	[hbm4b:s4+s2] =	stream.linear.scatter [tilespmem:s8], [sflag:$0x2], $0xC800, $0x38;
	[tilespmem:$0x1A900] =	vst v63  }
.Ltmp1:
0xa7: {  	_ =	swait.ge [sflag:s5], $0xC800;
	(pc) =	sbr.rel @!p1 .LBB2_3-.Ltmp1, $4  }
0xa8: {  	[sflag:s5] =	ssyncset.done $0x0  }
0xa9: {  	[sflag:s5] =	ssyncadd.s32 $0xFFFF3800  }
0xaa: {  	s1 =	sadd.s32 $0xFFFFFFFF, s1;
	_ =	swait.ge [sflag:s5], $0xC800  }
0xab: {  	p0 =	por $0x1, $0x1;
	s0 =	rddreg [dreg:$0x2];
	[sflag:s5] =	ssyncset.done $0x0  }
.LBB2_2:
0xac: {  	[sflag:s5] =	ssyncadd.s32 $0xFFFF3800  }
0xad: {  	[tilespmem:s2], [sflag:$0x3] =	stream.linear.gather [hbm4b:s0+s2], $0x1900, $0x38;
	[tilespmem:$0x1A900] =	vst v63  }
0xae: {  	_ =	swait.ge [sflag:s31], $0x1900  }
0xaf: {  	[sflag:s31] =	ssyncset.done $0x0  }
0xb0: {  	[sflag:s31] =	ssyncadd.s32 $0xFFFFE700  }
0xb1: {  	[tilespmem:s10], [sflag:$0x1] =	stream.indirect.gather [hbm4b:s3+s9], $0x80, s2, s9, $0xb8;
	[tilespmem:$0x1A900] =	vst v63  }
0xb2: {  	_ =	swait.ge [sflag:s7], $0xC800  }
0xb3: {  	[sflag:s7] =	ssyncset.done $0x0  }
0xb4: {  	[sflag:s7] =	ssyncadd.s32 $0xFFFF3800  }
0xb5: {  	[tilespmem:s8], [sflag:$0x1] =	stream.indirect.gather [hbm4b:s3+s9], $0x80, s9, s9, $0xb8;
	[tilespmem:$0x1A900] =	vst v63  }
0xb6: {  	s0 =	rddreg [dreg:$0x3]  }
0xb7: {  	[hbm4b:s0+s2] =	stream.linear.scatter [tilespmem:s10], [sflag:$0x2], $0xC800, $0x38;
	[tilespmem:$0x1A900] =	vst v63  }
0xb8: {  	_ =	swait.ge [sflag:s7], $0xC800  }
0xb9: {  	[sflag:s7] =	ssyncset.done $0x0  }
0xba: {  	[sflag:s7] =	ssyncadd.s32 $0xFFFF3800  }
0xbb: {  	_ =	swait.ge [sflag:s5], $0xC800  }
0xbc: {  	[sflag:s5] =	ssyncset.done $0x0  }
0xbd: {  	[sflag:s5] =	ssyncadd.s32 $0xFFFF3800  }
0xbe: {  	[tilespmem:s10], [sflag:$0x1] =	stream.indirect.gather [hbm4b:s3+s9], $0x80, s30, s9, $0xb8;
	[tilespmem:$0x1A900] =	vst v63  }
0xbf: {  	s0 =	rddreg [dreg:$0x4]  }
0xc0: {  	[hbm4b:s0+s2] =	stream.linear.scatter [tilespmem:s8], [sflag:$0x2], $0xC800, $0x38;
	[tilespmem:$0x1A900] =	vst v63  }
0xc1: {  	_ =	swait.ge [sflag:s7], $0xC800  }
0xc2: {  	[sflag:s7] =	ssyncset.done $0x0  }
0xc3: {  	[sflag:s7] =	ssyncadd.s32 $0xFFFF3800  }
0xc4: {  	_ =	swait.ge [sflag:s5], $0xC800  }
0xc5: {  	[sflag:s5] =	ssyncset.done $0x0  }
0xc6: {  	[sflag:s5] =	ssyncadd.s32 $0xFFFF3800  }
0xc7: {  	[tilespmem:s8], [sflag:$0x1] =	stream.indirect.gather [hbm4b:s3+s9], $0x80, s29, s9, $0xb8;
	[tilespmem:$0x1A900] =	vst v63  }
0xc8: {  	s0 =	rddreg [dreg:$0x5]  }
0xc9: {  	[hbm4b:s0+s2] =	stream.linear.scatter [tilespmem:s10], [sflag:$0x2], $0xC800, $0x38;
	[tilespmem:$0x1A900] =	vst v63  }
0xca: {  	_ =	swait.ge [sflag:s7], $0xC800  }
0xcb: {  	[sflag:s7] =	ssyncset.done $0x0  }
0xcc: {  	[sflag:s7] =	ssyncadd.s32 $0xFFFF3800  }
0xcd: {  	_ =	swait.ge [sflag:s5], $0xC800  }
0xce: {  	[sflag:s5] =	ssyncset.done $0x0  }
0xcf: {  	[sflag:s5] =	ssyncadd.s32 $0xFFFF3800  }
0xd0: {  	[tilespmem:s10], [sflag:$0x1] =	stream.indirect.gather [hbm4b:s3+s9], $0x80, s28, s9, $0xb8;
	[tilespmem:$0x1A900] =	vst v63  }
0xd1: {  	s0 =	rddreg [dreg:$0x6]  }
0xd2: {  	[hbm4b:s0+s2] =	stream.linear.scatter [tilespmem:s8], [sflag:$0x2], $0xC800, $0x38;
	[tilespmem:$0x1A900] =	vst v63  }
0xd3: {  	_ =	swait.ge [sflag:s7], $0xC800  }
0xd4: {  	[sflag:s7] =	ssyncset.done $0x0  }
0xd5: {  	[sflag:s7] =	ssyncadd.s32 $0xFFFF3800  }
0xd6: {  	_ =	swait.ge [sflag:s5], $0xC800  }
0xd7: {  	[sflag:s5] =	ssyncset.done $0x0  }
0xd8: {  	[sflag:s5] =	ssyncadd.s32 $0xFFFF3800  }
0xd9: {  	[tilespmem:s8], [sflag:$0x1] =	stream.indirect.gather [hbm4b:s3+s9], $0x80, s26, s9, $0xb8;
	[tilespmem:$0x1A900] =	vst v63  }
0xda: {  	s0 =	rddreg [dreg:$0x7]  }
0xdb: {  	[hbm4b:s0+s2] =	stream.linear.scatter [tilespmem:s10], [sflag:$0x2], $0xC800, $0x38;
	[tilespmem:$0x1A900] =	vst v63  }
0xdc: {  	_ =	swait.ge [sflag:s7], $0xC800  }
0xdd: {  	[sflag:s7] =	ssyncset.done $0x0  }
0xde: {  	[sflag:s7] =	ssyncadd.s32 $0xFFFF3800  }
0xdf: {  	_ =	swait.ge [sflag:s5], $0xC800  }
0xe0: {  	[sflag:s5] =	ssyncset.done $0x0  }
0xe1: {  	[sflag:s5] =	ssyncadd.s32 $0xFFFF3800  }
0xe2: {  	[tilespmem:s10], [sflag:$0x1] =	stream.indirect.gather [hbm4b:s3+s9], $0x80, s25, s9, $0xb8;
	[tilespmem:$0x1A900] =	vst v63  }
0xe3: {  	s0 =	rddreg [dreg:$0x8]  }
0xe4: {  	[hbm4b:s0+s2] =	stream.linear.scatter [tilespmem:s8], [sflag:$0x2], $0xC800, $0x38;
	[tilespmem:$0x1A900] =	vst v63  }
0xe5: {  	_ =	swait.ge [sflag:s7], $0xC800  }
0xe6: {  	[sflag:s7] =	ssyncset.done $0x0  }
0xe7: {  	[sflag:s7] =	ssyncadd.s32 $0xFFFF3800  }
0xe8: {  	_ =	swait.ge [sflag:s5], $0xC800  }
0xe9: {  	[sflag:s5] =	ssyncset.done $0x0  }
0xea: {  	[sflag:s5] =	ssyncadd.s32 $0xFFFF3800  }
0xeb: {  	[tilespmem:s8], [sflag:$0x1] =	stream.indirect.gather [hbm4b:s3+s9], $0x80, s24, s9, $0xb8;
	[tilespmem:$0x1A900] =	vst v63  }
0xec: {  	s0 =	rddreg [dreg:$0x9]  }
0xed: {  	[hbm4b:s0+s2] =	stream.linear.scatter [tilespmem:s10], [sflag:$0x2], $0xC800, $0x38;
	[tilespmem:$0x1A900] =	vst v63  }
0xee: {  	_ =	swait.ge [sflag:s7], $0xC800  }
0xef: {  	[sflag:s7] =	ssyncset.done $0x0  }
0xf0: {  	[sflag:s7] =	ssyncadd.s32 $0xFFFF3800  }
0xf1: {  	_ =	swait.ge [sflag:s5], $0xC800  }
0xf2: {  	[sflag:s5] =	ssyncset.done $0x0  }
0xf3: {  	[sflag:s5] =	ssyncadd.s32 $0xFFFF3800  }
0xf4: {  	[tilespmem:s10], [sflag:$0x1] =	stream.indirect.gather [hbm4b:s3+s9], $0x80, s23, s9, $0xb8;
	[tilespmem:$0x1A900] =	vst v63  }
0xf5: {  	s0 =	rddreg [dreg:$0xa]  }
0xf6: {  	[hbm4b:s0+s2] =	stream.linear.scatter [tilespmem:s8], [sflag:$0x2], $0xC800, $0x38;
	[tilespmem:$0x1A900] =	vst v63  }
0xf7: {  	_ =	swait.ge [sflag:s7], $0xC800  }
0xf8: {  	[sflag:s7] =	ssyncset.done $0x0  }
0xf9: {  	[sflag:s7] =	ssyncadd.s32 $0xFFFF3800  }
0xfa: {  	_ =	swait.ge [sflag:s5], $0xC800  }
0xfb: {  	[sflag:s5] =	ssyncset.done $0x0  }
0xfc: {  	[sflag:s5] =	ssyncadd.s32 $0xFFFF3800  }
0xfd: {  	[tilespmem:s8], [sflag:$0x1] =	stream.indirect.gather [hbm4b:s3+s9], $0x80, s22, s9, $0xb8;
	[tilespmem:$0x1A900] =	vst v63  }
0xfe: {  	s0 =	rddreg [dreg:$0xb]  }
0xff: {  	[hbm4b:s0+s2] =	stream.linear.scatter [tilespmem:s10], [sflag:$0x2], $0xC800, $0x38;
	[tilespmem:$0x1A900] =	vst v63  }
0x100: {  	_ =	swait.ge [sflag:s7], $0xC800  }
0x101: {  	[sflag:s7] =	ssyncset.done $0x0  }
0x102: {  	[sflag:s7] =	ssyncadd.s32 $0xFFFF3800  }
0x103: {  	_ =	swait.ge [sflag:s5], $0xC800  }
0x104: {  	[sflag:s5] =	ssyncset.done $0x0  }
0x105: {  	[sflag:s5] =	ssyncadd.s32 $0xFFFF3800  }
0x106: {  	[tilespmem:s10], [sflag:$0x1] =	stream.indirect.gather [hbm4b:s3+s9], $0x80, s21, s9, $0xb8;
	[tilespmem:$0x1A900] =	vst v63  }
0x107: {  	_ = 	snop  }
0x108: {  	[hbm4b:s17+s2] =	stream.linear.scatter [tilespmem:s8], [sflag:$0x2], $0xC800, $0x38;
	[tilespmem:$0x1A900] =	vst v63  }
0x109: {  	_ =	swait.ge [sflag:s7], $0xC800  }
0x10a: {  	[sflag:s7] =	ssyncset.done $0x0  }
0x10b: {  	[sflag:s7] =	ssyncadd.s32 $0xFFFF3800  }
0x10c: {  	_ =	swait.ge [sflag:s5], $0xC800  }
0x10d: {  	[sflag:s5] =	ssyncset.done $0x0  }
0x10e: {  	[sflag:s5] =	ssyncadd.s32 $0xFFFF3800  }
0x10f: {  	[tilespmem:s8], [sflag:$0x1] =	stream.indirect.gather [hbm4b:s3+s9], $0x80, s20, s9, $0xb8;
	[tilespmem:$0x1A900] =	vst v63  }
0x110: {  	_ = 	snop  }
0x111: {  	[hbm4b:s15+s2] =	stream.linear.scatter [tilespmem:s10], [sflag:$0x2], $0xC800, $0x38;
	[tilespmem:$0x1A900] =	vst v63  }
0x112: {  	_ =	swait.ge [sflag:s7], $0xC800  }
0x113: {  	[sflag:s7] =	ssyncset.done $0x0  }
0x114: {  	[sflag:s7] =	ssyncadd.s32 $0xFFFF3800  }
0x115: {  	_ =	swait.ge [sflag:s5], $0xC800  }
0x116: {  	[sflag:s5] =	ssyncset.done $0x0  }
0x117: {  	[sflag:s5] =	ssyncadd.s32 $0xFFFF3800  }
0x118: {  	[tilespmem:s10], [sflag:$0x1] =	stream.indirect.gather [hbm4b:s3+s9], $0x80, s19, s9, $0xb8;
	[tilespmem:$0x1A900] =	vst v63  }
0x119: {  	_ = 	snop  }
0x11a: {  	[hbm4b:s13+s2] =	stream.linear.scatter [tilespmem:s8], [sflag:$0x2], $0xC800, $0x38;
	[tilespmem:$0x1A900] =	vst v63  }
0x11b: {  	_ =	swait.ge [sflag:s7], $0xC800  }
0x11c: {  	[sflag:s7] =	ssyncset.done $0x0  }
0x11d: {  	[sflag:s7] =	ssyncadd.s32 $0xFFFF3800  }
0x11e: {  	_ =	swait.ge [sflag:s5], $0xC800  }
0x11f: {  	[sflag:s5] =	ssyncset.done $0x0  }
0x120: {  	[sflag:s5] =	ssyncadd.s32 $0xFFFF3800  }
0x121: {  	[tilespmem:s8], [sflag:$0x1] =	stream.indirect.gather [hbm4b:s3+s9], $0x80, s18, s9, $0xb8;
	[tilespmem:$0x1A900] =	vst v63  }
0x122: {  	_ = 	snop  }
0x123: {  	[hbm4b:s12+s2] =	stream.linear.scatter [tilespmem:s10], [sflag:$0x2], $0xC800, $0x38;
	[tilespmem:$0x1A900] =	vst v63  }
0x124: {  	_ =	swait.ge [sflag:s7], $0xC800  }
0x125: {  	[sflag:s7] =	ssyncset.done $0x0  }
0x126: {  	[sflag:s7] =	ssyncadd.s32 $0xFFFF3800  }
0x127: {  	_ =	swait.ge [sflag:s5], $0xC800  }
0x128: {  	[sflag:s5] =	ssyncset.done $0x0  }
0x129: {  	[sflag:s5] =	ssyncadd.s32 $0xFFFF3800  }
0x12a: {  	[tilespmem:s10], [sflag:$0x1] =	stream.indirect.gather [hbm4b:s3+s9], $0x80, s16, s9, $0xb8;
	[tilespmem:$0x1A900] =	vst v63  }
0x12b: {  	_ = 	snop  }
0x12c: {  	[hbm4b:s11+s2] =	stream.linear.scatter [tilespmem:s8], [sflag:$0x2], $0xC800, $0x38;
	[tilespmem:$0x1A900] =	vst v63  }
0x12d: {  	_ =	swait.ge [sflag:s7], $0xC800  }
0x12e: {  	[sflag:s7] =	ssyncset.done $0x0  }
0x12f: {  	[sflag:s7] =	ssyncadd.s32 $0xFFFF3800  }
0x130: {  	_ =	swait.ge [sflag:s5], $0xC800  }
0x131: {  	[sflag:s5] =	ssyncset.done $0x0  }
0x132: {  	[sflag:s5] =	ssyncadd.s32 $0xFFFF3800  }
0x133: {  	[tilespmem:s8], [sflag:$0x1] =	stream.indirect.gather [hbm4b:s3+s9], $0x80, s14, s9, $0xb8;
	[tilespmem:$0x1A900] =	vst v63  }
0x134: {  	_ = 	snop  }
0x135: {  	[hbm4b:s6+s2] =	stream.linear.scatter [tilespmem:s10], [sflag:$0x2], $0xC800, $0x38;
	[tilespmem:$0x1A900] =	vst v63  }
0x136: {  	_ =	swait.ge [sflag:s7], $0xC800  }
0x137: {  	[sflag:s7] =	ssyncset.done $0x0  }
0x138: {  	p1 =	sne.s32 s1, $0x1;
	[sflag:s7] =	ssyncadd.s32 $0xFFFF3800  }
0x139: {  	[hbm4b:s4+s2] =	stream.linear.scatter [tilespmem:s8], [sflag:$0x2], $0xC800, $0x38;
	[tilespmem:$0x1A900] =	vst v63  }
.Ltmp2:
0x13a: {  	_ =	swait.ge [sflag:s5], $0xC800;
	(pc) =	sbr.rel @p1 .LBB2_2-.Ltmp2, $4  }
0x13b: {  	[sflag:s5] =	ssyncset.done $0x0  }
0x13c: {  	[sflag:s5] =	ssyncadd.s32 $0xFFFF3800  }
0x13d: {  	_ =	swait.ge [sflag:s5], $0xC800  }
0x13e: {  	s1 =	sadd.s32 $0xFFFFFFFF, s1;
	s0 =	rddreg [dreg:$0x2];
	[sflag:s5] =	ssyncset.done $0x0  }
.LBB2_3:
0x13f: {  	[sflag:s5] =	ssyncadd.s32 @p0 $0xFFFF3800  }
0x140: {  	[tilespmem:s2], [sflag:$0x3] =	stream.linear.gather [hbm4b:s0+s2], $0x1900, $0x38;
	[tilespmem:$0x1A900] =	vst v63  }
0x141: {  	_ =	swait.ge [sflag:s31], $0x1900  }
0x142: {  	[sflag:s31] =	ssyncset.done $0x0  }
0x143: {  	[sflag:s31] =	ssyncadd.s32 $0xFFFFE700  }
0x144: {  	[tilespmem:s10], [sflag:$0x1] =	stream.indirect.gather [hbm4b:s3+s9], $0x80, s2, s9, $0xb8;
	[tilespmem:$0x1A900] =	vst v63  }
0x145: {  	_ =	swait.ge [sflag:s7], $0xC800  }
0x146: {  	[sflag:s7] =	ssyncset.done $0x0  }
0x147: {  	[sflag:s7] =	ssyncadd.s32 $0xFFFF3800  }
0x148: {  	[tilespmem:s8], [sflag:$0x1] =	stream.indirect.gather [hbm4b:s3+s9], $0x80, s9, s9, $0xb8;
	[tilespmem:$0x1A900] =	vst v63  }
0x149: {  	s31 =	rddreg [dreg:$0x3]  }
0x14a: {  	[hbm4b:s31+s2] =	stream.linear.scatter [tilespmem:s10], [sflag:$0x2], $0xC800, $0x38;
	[tilespmem:$0x1A900] =	vst v63  }
0x14b: {  	_ =	swait.ge [sflag:s7], $0xC800  }
0x14c: {  	[sflag:s7] =	ssyncset.done $0x0  }
0x14d: {  	[sflag:s7] =	ssyncadd.s32 $0xFFFF3800  }
0x14e: {  	_ =	swait.ge [sflag:s5], $0xC800  }
0x14f: {  	[sflag:s5] =	ssyncset.done $0x0  }
0x150: {  	[sflag:s5] =	ssyncadd.s32 $0xFFFF3800  }
0x151: {  	[tilespmem:s10], [sflag:$0x1] =	stream.indirect.gather [hbm4b:s3+s9], $0x80, s30, s9, $0xb8;
	[tilespmem:$0x1A900] =	vst v63  }
0x152: {  	s1 =	rddreg [dreg:$0x4]  }
0x153: {  	[hbm4b:s1+s2] =	stream.linear.scatter [tilespmem:s8], [sflag:$0x2], $0xC800, $0x38;
	[tilespmem:$0x1A900] =	vst v63  }
0x154: {  	_ =	swait.ge [sflag:s7], $0xC800  }
0x155: {  	[sflag:s7] =	ssyncset.done $0x0  }
0x156: {  	[sflag:s7] =	ssyncadd.s32 $0xFFFF3800  }
0x157: {  	_ =	swait.ge [sflag:s5], $0xC800  }
0x158: {  	[sflag:s5] =	ssyncset.done $0x0  }
0x159: {  	[sflag:s5] =	ssyncadd.s32 $0xFFFF3800  }
0x15a: {  	[tilespmem:s8], [sflag:$0x1] =	stream.indirect.gather [hbm4b:s3+s9], $0x80, s29, s9, $0xb8;
	[tilespmem:$0x1A900] =	vst v63  }
0x15b: {  	s30 =	rddreg [dreg:$0x5]  }
0x15c: {  	[hbm4b:s30+s2] =	stream.linear.scatter [tilespmem:s10], [sflag:$0x2], $0xC800, $0x38;
	[tilespmem:$0x1A900] =	vst v63  }
0x15d: {  	_ =	swait.ge [sflag:s7], $0xC800  }
0x15e: {  	[sflag:s7] =	ssyncset.done $0x0  }
0x15f: {  	[sflag:s7] =	ssyncadd.s32 $0xFFFF3800  }
0x160: {  	_ =	swait.ge [sflag:s5], $0xC800  }
0x161: {  	[sflag:s5] =	ssyncset.done $0x0  }
0x162: {  	[sflag:s5] =	ssyncadd.s32 $0xFFFF3800  }
0x163: {  	[tilespmem:s10], [sflag:$0x1] =	stream.indirect.gather [hbm4b:s3+s9], $0x80, s28, s9, $0xb8;
	[tilespmem:$0x1A900] =	vst v63  }
0x164: {  	s31 =	rddreg [dreg:$0x6]  }
0x165: {  	[hbm4b:s31+s2] =	stream.linear.scatter [tilespmem:s8], [sflag:$0x2], $0xC800, $0x38;
	[tilespmem:$0x1A900] =	vst v63  }
0x166: {  	_ =	swait.ge [sflag:s7], $0xC800  }
0x167: {  	[sflag:s7] =	ssyncset.done $0x0  }
0x168: {  	[sflag:s7] =	ssyncadd.s32 $0xFFFF3800  }
0x169: {  	_ =	swait.ge [sflag:s5], $0xC800  }
0x16a: {  	[sflag:s5] =	ssyncset.done $0x0  }
0x16b: {  	[sflag:s5] =	ssyncadd.s32 $0xFFFF3800  }
0x16c: {  	[tilespmem:s8], [sflag:$0x1] =	stream.indirect.gather [hbm4b:s3+s9], $0x80, s26, s9, $0xb8;
	[tilespmem:$0x1A900] =	vst v63  }
0x16d: {  	s1 =	rddreg [dreg:$0x7]  }
0x16e: {  	[hbm4b:s1+s2] =	stream.linear.scatter [tilespmem:s10], [sflag:$0x2], $0xC800, $0x38;
	[tilespmem:$0x1A900] =	vst v63  }
0x16f: {  	_ =	swait.ge [sflag:s7], $0xC800  }
0x170: {  	[sflag:s7] =	ssyncset.done $0x0  }
0x171: {  	[sflag:s7] =	ssyncadd.s32 $0xFFFF3800  }
0x172: {  	_ =	swait.ge [sflag:s5], $0xC800  }
0x173: {  	[sflag:s5] =	ssyncset.done $0x0  }
0x174: {  	[sflag:s5] =	ssyncadd.s32 $0xFFFF3800  }
0x175: {  	[tilespmem:s10], [sflag:$0x1] =	stream.indirect.gather [hbm4b:s3+s9], $0x80, s25, s9, $0xb8;
	[tilespmem:$0x1A900] =	vst v63  }
0x176: {  	s26 =	rddreg [dreg:$0x8]  }
0x177: {  	[hbm4b:s26+s2] =	stream.linear.scatter [tilespmem:s8], [sflag:$0x2], $0xC800, $0x38;
	[tilespmem:$0x1A900] =	vst v63  }
0x178: {  	_ =	swait.ge [sflag:s7], $0xC800  }
0x179: {  	[sflag:s7] =	ssyncset.done $0x0  }
0x17a: {  	[sflag:s7] =	ssyncadd.s32 $0xFFFF3800  }
0x17b: {  	_ =	swait.ge [sflag:s5], $0xC800  }
0x17c: {  	[sflag:s5] =	ssyncset.done $0x0  }
0x17d: {  	[sflag:s5] =	ssyncadd.s32 $0xFFFF3800  }
0x17e: {  	[tilespmem:s8], [sflag:$0x1] =	stream.indirect.gather [hbm4b:s3+s9], $0x80, s24, s9, $0xb8;
	[tilespmem:$0x1A900] =	vst v63  }
0x17f: {  	s28 =	rddreg [dreg:$0x9]  }
0x180: {  	[hbm4b:s28+s2] =	stream.linear.scatter [tilespmem:s10], [sflag:$0x2], $0xC800, $0x38;
	[tilespmem:$0x1A900] =	vst v63  }
0x181: {  	_ =	swait.ge [sflag:s7], $0xC800  }
0x182: {  	[sflag:s7] =	ssyncset.done $0x0  }
0x183: {  	[sflag:s7] =	ssyncadd.s32 $0xFFFF3800  }
0x184: {  	_ =	swait.ge [sflag:s5], $0xC800  }
0x185: {  	[sflag:s5] =	ssyncset.done $0x0  }
0x186: {  	[sflag:s5] =	ssyncadd.s32 $0xFFFF3800  }
0x187: {  	[tilespmem:s10], [sflag:$0x1] =	stream.indirect.gather [hbm4b:s3+s9], $0x80, s23, s9, $0xb8;
	[tilespmem:$0x1A900] =	vst v63  }
0x188: {  	s29 =	rddreg [dreg:$0xa]  }
0x189: {  	[hbm4b:s29+s2] =	stream.linear.scatter [tilespmem:s8], [sflag:$0x2], $0xC800, $0x38;
	[tilespmem:$0x1A900] =	vst v63  }
0x18a: {  	_ =	swait.ge [sflag:s7], $0xC800  }
0x18b: {  	[sflag:s7] =	ssyncset.done $0x0  }
0x18c: {  	[sflag:s7] =	ssyncadd.s32 $0xFFFF3800  }
0x18d: {  	_ =	swait.ge [sflag:s5], $0xC800  }
0x18e: {  	[sflag:s5] =	ssyncset.done $0x0  }
0x18f: {  	[sflag:s5] =	ssyncadd.s32 $0xFFFF3800  }
0x190: {  	[tilespmem:s8], [sflag:$0x1] =	stream.indirect.gather [hbm4b:s3+s9], $0x80, s22, s9, $0xb8;
	[tilespmem:$0x1A900] =	vst v63  }
0x191: {  	s30 =	rddreg [dreg:$0xb]  }
0x192: {  	[hbm4b:s30+s2] =	stream.linear.scatter [tilespmem:s10], [sflag:$0x2], $0xC800, $0x38;
	[tilespmem:$0x1A900] =	vst v63  }
0x193: {  	_ =	swait.ge [sflag:s7], $0xC800  }
0x194: {  	[sflag:s7] =	ssyncset.done $0x0  }
0x195: {  	[sflag:s7] =	ssyncadd.s32 $0xFFFF3800  }
0x196: {  	_ =	swait.ge [sflag:s5], $0xC800  }
0x197: {  	[sflag:s5] =	ssyncset.done $0x0  }
0x198: {  	[sflag:s5] =	ssyncadd.s32 $0xFFFF3800  }
0x199: {  	[tilespmem:s10], [sflag:$0x1] =	stream.indirect.gather [hbm4b:s3+s9], $0x80, s21, s9, $0xb8;
	[tilespmem:$0x1A900] =	vst v63  }
0x19a: {  	_ = 	snop  }
0x19b: {  	[hbm4b:s17+s2] =	stream.linear.scatter [tilespmem:s8], [sflag:$0x2], $0xC800, $0x38;
	[tilespmem:$0x1A900] =	vst v63  }
0x19c: {  	_ =	swait.ge [sflag:s7], $0xC800  }
0x19d: {  	[sflag:s7] =	ssyncset.done $0x0  }
0x19e: {  	[sflag:s7] =	ssyncadd.s32 $0xFFFF3800  }
0x19f: {  	_ =	swait.ge [sflag:s5], $0xC800  }
0x1a0: {  	[sflag:s5] =	ssyncset.done $0x0  }
0x1a1: {  	[sflag:s5] =	ssyncadd.s32 $0xFFFF3800  }
0x1a2: {  	[tilespmem:s8], [sflag:$0x1] =	stream.indirect.gather [hbm4b:s3+s9], $0x80, s20, s9, $0xb8;
	[tilespmem:$0x1A900] =	vst v63  }
0x1a3: {  	_ = 	snop  }
0x1a4: {  	[hbm4b:s15+s2] =	stream.linear.scatter [tilespmem:s10], [sflag:$0x2], $0xC800, $0x38;
	[tilespmem:$0x1A900] =	vst v63  }
0x1a5: {  	_ =	swait.ge [sflag:s7], $0xC800  }
0x1a6: {  	[sflag:s7] =	ssyncset.done $0x0  }
0x1a7: {  	[sflag:s7] =	ssyncadd.s32 $0xFFFF3800  }
0x1a8: {  	_ =	swait.ge [sflag:s5], $0xC800  }
0x1a9: {  	[sflag:s5] =	ssyncset.done $0x0  }
0x1aa: {  	[sflag:s5] =	ssyncadd.s32 $0xFFFF3800  }
0x1ab: {  	[tilespmem:s10], [sflag:$0x1] =	stream.indirect.gather [hbm4b:s3+s9], $0x80, s19, s9, $0xb8;
	[tilespmem:$0x1A900] =	vst v63  }
0x1ac: {  	_ = 	snop  }
0x1ad: {  	[hbm4b:s13+s2] =	stream.linear.scatter [tilespmem:s8], [sflag:$0x2], $0xC800, $0x38;
	[tilespmem:$0x1A900] =	vst v63  }
0x1ae: {  	_ =	swait.ge [sflag:s7], $0xC800  }
0x1af: {  	[sflag:s7] =	ssyncset.done $0x0  }
0x1b0: {  	[sflag:s7] =	ssyncadd.s32 $0xFFFF3800  }
0x1b1: {  	_ =	swait.ge [sflag:s5], $0xC800  }
0x1b2: {  	[sflag:s5] =	ssyncset.done $0x0  }
0x1b3: {  	[sflag:s5] =	ssyncadd.s32 $0xFFFF3800  }
0x1b4: {  	[tilespmem:s8], [sflag:$0x1] =	stream.indirect.gather [hbm4b:s3+s9], $0x80, s18, s9, $0xb8;
	[tilespmem:$0x1A900] =	vst v63  }
0x1b5: {  	_ = 	snop  }
0x1b6: {  	[hbm4b:s12+s2] =	stream.linear.scatter [tilespmem:s10], [sflag:$0x2], $0xC800, $0x38;
	[tilespmem:$0x1A900] =	vst v63  }
0x1b7: {  	_ =	swait.ge [sflag:s7], $0xC800  }
0x1b8: {  	[sflag:s7] =	ssyncset.done $0x0  }
0x1b9: {  	[sflag:s7] =	ssyncadd.s32 $0xFFFF3800  }
0x1ba: {  	_ =	swait.ge [sflag:s5], $0xC800  }
0x1bb: {  	[sflag:s5] =	ssyncset.done $0x0  }
0x1bc: {  	[sflag:s5] =	ssyncadd.s32 $0xFFFF3800  }
0x1bd: {  	[tilespmem:s10], [sflag:$0x1] =	stream.indirect.gather [hbm4b:s3+s9], $0x80, s16, s9, $0xb8;
	[tilespmem:$0x1A900] =	vst v63  }
0x1be: {  	_ = 	snop  }
0x1bf: {  	[hbm4b:s11+s2] =	stream.linear.scatter [tilespmem:s8], [sflag:$0x2], $0xC800, $0x38;
	[tilespmem:$0x1A900] =	vst v63  }
0x1c0: {  	_ =	swait.ge [sflag:s7], $0xC800  }
0x1c1: {  	[sflag:s7] =	ssyncset.done $0x0  }
0x1c2: {  	[sflag:s7] =	ssyncadd.s32 $0xFFFF3800  }
0x1c3: {  	_ =	swait.ge [sflag:s5], $0xC800  }
0x1c4: {  	[sflag:s5] =	ssyncset.done $0x0  }
0x1c5: {  	[sflag:s5] =	ssyncadd.s32 $0xFFFF3800  }
0x1c6: {  	[tilespmem:s8], [sflag:$0x1] =	stream.indirect.gather [hbm4b:s3+s9], $0x80, s14, s9, $0xb8;
	[tilespmem:$0x1A900] =	vst v63  }
0x1c7: {  	_ = 	snop  }
0x1c8: {  	[hbm4b:s6+s2] =	stream.linear.scatter [tilespmem:s10], [sflag:$0x2], $0xC800, $0x38;
	[tilespmem:$0x1A900] =	vst v63  }
0x1c9: {  	_ =	swait.ge [sflag:s7], $0xC800  }
0x1ca: {  	[sflag:s7] =	ssyncset.done $0x0  }
0x1cb: {  	[sflag:s7] =	ssyncadd.s32 $0xFFFF3800  }
0x1cc: {  	[hbm4b:s4+s2] =	stream.linear.scatter [tilespmem:s8], [sflag:$0x2], $0xC800, $0x38;
	[tilespmem:$0x1A900] =	vst v63  }
0x1cd: {  	_ =	swait.ge [sflag:s5], $0xC800  }
0x1ce: {  	[sflag:s5] =	ssyncset.done $0x0  }
0x1cf: {  	[sflag:s5] =	ssyncadd.s32 $0xFFFF3800  }
0x1d0: {  	_ =	swait.ge [sflag:s5], $0xC800  }
0x1d1: {  	[sflag:s5] =	ssyncset.done $0x0  }
0x1d2: {  	[sflag:s5] =	ssyncadd.s32 $0xFFFF3800  }
0x1d3: {  	_ =	sfence.sel $0x180000  }
0x1d4: {  	[bflag:$0x0] =	sbarrier.arrive $0xFFFF  }
0x1d5: {  	_ =	strace $0x90000047  }
0x1d6: {  	s31 =	stileid.u32;
	[bflag:$0x2] =	sbarrier.arrive $0xFFFF  }
0x1d7: {  	p0 =	sne.s32 s31, $0x0;
	s0 =	rddreg [dreg:$0x1]  }
0x1d8: {  	s0 =	sadd.s32 @!p0 $0x100000, s0  }
0x1d9: {  	[sflag:s0] =	ssyncadd.tile.s32 @!p0 $0x1;
	_ =	shalt  }
.Lfunc_end2:
_tile_overlayer_lowered:
.L_overlay_start_2:
0x1da: {  	(tag) =	ssettag $0x2  }
0x1db: {  	s0 =	rddreg [dreg:$0x0];
	s2 =	stileid.u32  }
0x1dc: {  	s1 =	rddreg [dreg:$0x1];
	p0 =	sne.s32 s2, $0x0  }
0x1dd: {  	s3 =	rddreg [dreg:$0x2];
	[bflag:$0x3] =	sbarrier.arrive $0xFFFF;
	s2 =	simm.s32 @!p0 $0x1C03  }
0x1de: {  	[timem:s3], [sflag:s2] =	dma.local @!p0 [hbm:s0], s1  }
0x1df: {  	s0 =	simm.s32 @!p0 $0x3  }
0x1e0: {  	_ =	swait.ge @!p0 [sflag:s0], s1  }
0x1e1: {  	s1 =	ssub.s32 @!p0 $0x0, s1;
	[sflag:s0] =	ssyncset.done @!p0 $0x0  }
0x1e2: {  	[sflag:s0] =	ssyncadd.s32 @!p0 s1  }
0x1e3: {  	[bflag:$0x3] =	sbarrier.arrive $0xFFFF  }
0x1e4: {  	_ =	shalt  }

</sc_bundles>
